<compile_context>
chip_gen: v7x
topology: tpu7x:2x2x1
jax: 0.10.2.dev20260603
libtpu: 0.0.44.dev20260713+nightly
codegen_flags: <defaults>
</compile_context>

<pallas_src>
import dataclasses
import functools

import jax
import jax.numpy as jnp
from jax import lax
from jax.experimental import pallas as pl
from jax.experimental.pallas import tpu as pltpu
from jax.experimental.pallas import tpu_sc as plsc

N = 16384
C = 200
NC = 2
NS = 16
NW = NC * NS
L = 16
COLS_PER_W = N // NW
CHUNK = 128
NCHUNKS = COLS_PER_W // CHUNK
NXBUF = 2
NDBUF = 3

_mesh = plsc.VectorSubcoreMesh(core_axis_name="c", subcore_axis_name="s")

_cp = pltpu.CompilerParams()
if "needs_layout_passes" in pltpu.CompilerParams.__dataclass_fields__:
  _cp = dataclasses.replace(_cp, needs_layout_passes=False)

_scratch = (
    [pltpu.VMEM((C, CHUNK), jnp.float32) for _ in range(NXBUF)]
    + [pltpu.VMEM((C, CHUNK), jnp.int32) for _ in range(NDBUF)]
    + [pltpu.SemaphoreType.DMA] * (NXBUF + 2 * NDBUF)
)


@jax.jit
def _gather_sc(xt, dt):
  @functools.partial(
      pl.kernel,
      out_type=jax.ShapeDtypeStruct((C, N), jnp.float32),
      mesh=_mesh,
      scratch_types=_scratch,
      compiler_params=_cp,
  )
  def k(x_hbm, d_hbm, o_hbm, *scr):
    xvs = scr[:NXBUF]
    dvs = scr[NXBUF:NXBUF + NDBUF]
    sxs = scr[NXBUF + NDBUF:2 * NXBUF + NDBUF]
    sds = scr[2 * NXBUF + NDBUF:2 * NXBUF + 2 * NDBUF]
    sos = scr[2 * NXBUF + 2 * NDBUF:]
    wid = lax.axis_index("s") * NC + lax.axis_index("c")
    base = wid * COLS_PER_W
    lane = lax.iota(jnp.int32, L)
    cols = [lane + o for o in range(0, CHUNK, L)]

    pend_in = {}
    pend_out = {}

    def issue_in(cc):
      c0 = base + cc * CHUNK
      pend_in[cc] = (
          pltpu.async_copy(
              x_hbm.at[:, pl.ds(c0, CHUNK)], xvs[cc % NXBUF], sxs[cc % NXBUF]),
          pltpu.async_copy(
              d_hbm.at[:, pl.ds(c0, CHUNK)], dvs[cc % NDBUF], sds[cc % NDBUF]),
      )

    for cc in range(min(NXBUF, NCHUNKS)):
      issue_in(cc)

    for cc in range(NCHUNKS):
      xv = xvs[cc % NXBUF]
      dv = dvs[cc % NDBUF]
      cpx, cpd = pend_in.pop(cc)
      cpx.wait()
      cpd.wait()

      @plsc.parallel_loop(0, C, unroll=2)
      def _(j):
        for o, col in zip(range(0, CHUNK, L), cols):
          idx = dv[j, pl.ds(o, L)]
          vals = plsc.load_gather(xv, [idx, col])
          dv[j, pl.ds(o, L)] = plsc.bitcast(vals, jnp.int32)

      c0 = base + cc * CHUNK
      pend_out[cc] = pltpu.async_copy(
          dv.bitcast(jnp.float32), o_hbm.at[:, pl.ds(c0, CHUNK)],
          sos[cc % NDBUF])
      if cc + NXBUF < NCHUNKS:
        prev = cc + NXBUF - NDBUF
        if prev >= 0:
          pend_out.pop(prev).wait()
        issue_in(cc + NXBUF)

    for cc in sorted(pend_out):
      pend_out.pop(cc).wait()

  return k(xt, dt)


def kernel(x, d):
  out_t = _gather_sc(x.T, d.astype(jnp.int32).T)
  return out_t.T

# --- scband reference (transcript-rebuilt; emitter-appended) ---
"""Pipeline reference for scband-identity-14207751815829 (READ-ONLY COPY).

The authoritative reference and input builder live on the scoring server;
editing this copy changes nothing except your own understanding.
"""

import jax, jax.numpy as jnp
import numpy as np

def setup_inputs(seed: int = 0) -> dict:
    key = jax.random.key(seed)
    kx, kd = jax.random.split(key)
    x = jax.random.normal(kx, (16384, 200), dtype=jnp.float32)
    d = jax.random.randint(kd, (16384, 200), 0, 200, dtype=jnp.int64)
    return {"x": x, "d": d}

def reference(x, d):
    # torch.gather(x, 1, d) == take_along_axis over axis 1
    return jnp.take_along_axis(x, d, axis=1)

if __name__ == "__main__":
    import jax
    _d = setup_inputs()
    print(jax.jit(kernel)(*tuple(_d.values())))

</pallas_src>

<mosaic_0001>
#map = affine_map<(d0, d1) -> (0, 0)>
module attributes {stable_mosaic.version = 14 : i64} {
  func.func @k(%arg0: i32, %arg1: i32, %arg2: memref<200x16384xf32, #tpu.memory_space<hbm>>, %arg3: memref<200x16384xi32, #tpu.memory_space<hbm>>, %arg4: memref<200x16384xf32, #tpu.memory_space<hbm>>, %arg5: memref<200x128xf32, #tpu.memory_space<vmem>>, %arg6: memref<200x128xf32, #tpu.memory_space<vmem>>, %arg7: memref<200x128xi32, #tpu.memory_space<vmem>>, %arg8: memref<200x128xi32, #tpu.memory_space<vmem>>, %arg9: memref<200x128xi32, #tpu.memory_space<vmem>>, %arg10: memref<!tpu.dma_semaphore, #tpu.memory_space<semaphore_mem>>, %arg11: memref<!tpu.dma_semaphore, #tpu.memory_space<semaphore_mem>>, %arg12: memref<!tpu.dma_semaphore, #tpu.memory_space<semaphore_mem>>, %arg13: memref<!tpu.dma_semaphore, #tpu.memory_space<semaphore_mem>>, %arg14: memref<!tpu.dma_semaphore, #tpu.memory_space<semaphore_mem>>, %arg15: memref<!tpu.dma_semaphore, #tpu.memory_space<semaphore_mem>>, %arg16: memref<!tpu.dma_semaphore, #tpu.memory_space<semaphore_mem>>, %arg17: memref<!tpu.dma_semaphore, #tpu.memory_space<semaphore_mem>>) attributes {dimension_semantics = [#tpu.dimension_semantics<core_parallel>, #tpu.dimension_semantics<subcore_parallel>], iteration_bounds = array<i64: 2, 16>, scalar_prefetch = 0 : i64, scratch_operands = 13 : i64, tpu.core_type = #tpu.core_type<sc_vector_subcore>, window_params = [{transform_indices = #map}, {transform_indices = #map}, {transform_indices = #map}]} {
    %mul3A = arith.constant 2 : i32
    %mul3A_0 = arith.muli %arg1, %mul3A : i32
    %add3A = arith.addi %mul3A_0, %arg0 : i32
    %mul3A_1 = arith.constant 512 : i32
    %mul3A_2 = arith.muli %add3A, %mul3A_1 : i32
    %iota3A = tpu.iota {dimensions = array<i32: 0>} : vector<16xi32>
    %add3A_3 = arith.constant 0 : i32
    %add3A_4 = vector.broadcast %add3A_3 : i32 to vector<16xi32>
    %add3A_5 = arith.addi %iota3A, %add3A_4 : vector<16xi32>
    %add3A_6 = arith.constant 16 : i32
    %add3A_7 = vector.broadcast %add3A_6 : i32 to vector<16xi32>
    %add3A_8 = arith.addi %iota3A, %add3A_7 : vector<16xi32>
    %add3A_9 = arith.constant 32 : i32
    %add3A_10 = vector.broadcast %add3A_9 : i32 to vector<16xi32>
    %add3A_11 = arith.addi %iota3A, %add3A_10 : vector<16xi32>
    %add3A_12 = arith.constant 48 : i32
    %add3A_13 = vector.broadcast %add3A_12 : i32 to vector<16xi32>
    %add3A_14 = arith.addi %iota3A, %add3A_13 : vector<16xi32>
    %add3A_15 = arith.constant 64 : i32
    %add3A_16 = vector.broadcast %add3A_15 : i32 to vector<16xi32>
    %add3A_17 = arith.addi %iota3A, %add3A_16 : vector<16xi32>
    %add3A_18 = arith.constant 80 : i32
    %add3A_19 = vector.broadcast %add3A_18 : i32 to vector<16xi32>
    %add3A_20 = arith.addi %iota3A, %add3A_19 : vector<16xi32>
    %add3A_21 = arith.constant 96 : i32
    %add3A_22 = vector.broadcast %add3A_21 : i32 to vector<16xi32>
    %add3A_23 = arith.addi %iota3A, %add3A_22 : vector<16xi32>
    %add3A_24 = arith.constant 112 : i32
    %add3A_25 = vector.broadcast %add3A_24 : i32 to vector<16xi32>
    %add3A_26 = arith.addi %iota3A, %add3A_25 : vector<16xi32>
    %add3A_27 = arith.constant 0 : i32
    %add3A_28 = arith.addi %mul3A_2, %add3A_27 : i32
    %dma_start3A = arith.constant 0 : i32
    %dma_start3A_29 = tpu.memref_slice %arg2[%dma_start3A, %add3A_28] : memref<200x16384xf32, #tpu.memory_space<hbm>> -> memref<200x128xf32, #tpu.memory_space<hbm>>
    %dma_start3A_30 = arith.constant 0 : i32
    %dma_start3A_31 = tpu.memref_slice %arg2[%dma_start3A_30, %add3A_28] : memref<200x16384xf32, #tpu.memory_space<hbm>> -> memref<200x128xf32, #tpu.memory_space<hbm>>
    tpu.enqueue_dma source(%dma_start3A_31 : memref<200x128xf32, #tpu.memory_space<hbm>>) target(%arg5 : memref<200x128xf32, #tpu.memory_space<vmem>>) target_semaphore(%arg10 : memref<!tpu.dma_semaphore, #tpu.memory_space<semaphore_mem>>)
    %dma_start3A_32 = arith.constant 0 : i32
    %dma_start3A_33 = tpu.memref_slice %arg3[%dma_start3A_32, %add3A_28] : memref<200x16384xi32, #tpu.memory_space<hbm>> -> memref<200x128xi32, #tpu.memory_space<hbm>>
    %dma_start3A_34 = arith.constant 0 : i32
    %dma_start3A_35 = tpu.memref_slice %arg3[%dma_start3A_34, %add3A_28] : memref<200x16384xi32, #tpu.memory_space<hbm>> -> memref<200x128xi32, #tpu.memory_space<hbm>>
    tpu.enqueue_dma source(%dma_start3A_35 : memref<200x128xi32, #tpu.memory_space<hbm>>) target(%arg7 : memref<200x128xi32, #tpu.memory_space<vmem>>) target_semaphore(%arg12 : memref<!tpu.dma_semaphore, #tpu.memory_space<semaphore_mem>>)
    %add3A_36 = arith.constant 128 : i32
    %add3A_37 = arith.addi %mul3A_2, %add3A_36 : i32
    %dma_start3A_38 = arith.constant 0 : i32
    %dma_start3A_39 = tpu.memref_slice %arg2[%dma_start3A_38, %add3A_37] : memref<200x16384xf32, #tpu.memory_space<hbm>> -> memref<200x128xf32, #tpu.memory_space<hbm>>
    %dma_start3A_40 = arith.constant 0 : i32
    %dma_start3A_41 = tpu.memref_slice %arg2[%dma_start3A_40, %add3A_37] : memref<200x16384xf32, #tpu.memory_space<hbm>> -> memref<200x128xf32, #tpu.memory_space<hbm>>
    tpu.enqueue_dma source(%dma_start3A_41 : memref<200x128xf32, #tpu.memory_space<hbm>>) target(%arg6 : memref<200x128xf32, #tpu.memory_space<vmem>>) target_semaphore(%arg11 : memref<!tpu.dma_semaphore, #tpu.memory_space<semaphore_mem>>)
    %dma_start3A_42 = arith.constant 0 : i32
    %dma_start3A_43 = tpu.memref_slice %arg3[%dma_start3A_42, %add3A_37] : memref<200x16384xi32, #tpu.memory_space<hbm>> -> memref<200x128xi32, #tpu.memory_space<hbm>>
    %dma_start3A_44 = arith.constant 0 : i32
    %dma_start3A_45 = tpu.memref_slice %arg3[%dma_start3A_44, %add3A_37] : memref<200x16384xi32, #tpu.memory_space<hbm>> -> memref<200x128xi32, #tpu.memory_space<hbm>>
    tpu.enqueue_dma source(%dma_start3A_45 : memref<200x128xi32, #tpu.memory_space<hbm>>) target(%arg8 : memref<200x128xi32, #tpu.memory_space<vmem>>) target_semaphore(%arg13 : memref<!tpu.dma_semaphore, #tpu.memory_space<semaphore_mem>>)
    %dma_wait3A = arith.constant 0 : i32
    %dma_wait3A_46 = tpu.memref_slice %arg2[%dma_wait3A, %add3A_28] : memref<200x16384xf32, #tpu.memory_space<hbm>> -> memref<200x128xf32, #tpu.memory_space<hbm>>
    %dma_wait3A_47 = arith.constant 0 : i32
    %dma_wait3A_48 = tpu.memref_slice %arg2[%dma_wait3A_47, %add3A_28] : memref<200x16384xf32, #tpu.memory_space<hbm>> -> memref<200x128xf32, #tpu.memory_space<hbm>>
    tpu.wait_dma2 semaphore(%arg10 : memref<!tpu.dma_semaphore, #tpu.memory_space<semaphore_mem>>) src(%dma_wait3A_48 : memref<200x128xf32, #tpu.memory_space<hbm>>) dst(%arg5 : memref<200x128xf32, #tpu.memory_space<vmem>>)
    %dma_wait3A_49 = arith.constant 0 : i32
    %dma_wait3A_50 = tpu.memref_slice %arg3[%dma_wait3A_49, %add3A_28] : memref<200x16384xi32, #tpu.memory_space<hbm>> -> memref<200x128xi32, #tpu.memory_space<hbm>>
    %dma_wait3A_51 = arith.constant 0 : i32
    %dma_wait3A_52 = tpu.memref_slice %arg3[%dma_wait3A_51, %add3A_28] : memref<200x16384xi32, #tpu.memory_space<hbm>> -> memref<200x128xi32, #tpu.memory_space<hbm>>
    tpu.wait_dma2 semaphore(%arg12 : memref<!tpu.dma_semaphore, #tpu.memory_space<semaphore_mem>>) src(%dma_wait3A_52 : memref<200x128xi32, #tpu.memory_space<hbm>>) dst(%arg7 : memref<200x128xi32, #tpu.memory_space<vmem>>)
    %parallel_loop3A = arith.constant 0 : i32
    %parallel_loop3A_53 = arith.constant 200 : i32
    %parallel_loop3A_54 = arith.constant 1 : i32
    scf.for %parallel_loop3A_164 = %parallel_loop3A to %parallel_loop3A_53 step %parallel_loop3A_54  : i32 {
      %parallel_loop3A_165 = arith.index_cast %parallel_loop3A_164 : i32 to index
      %parallel_loop3A_166 = arith.constant 0 : index
      %parallel_loop3A_167 = tpu.vector_load %arg7[%parallel_loop3A_165, %parallel_loop3A_166] {strides = array<i32>} : memref<200x128xi32, #tpu.memory_space<vmem>>, vector<16xi32>,
      %parallel_loop3A_168 = tpu.vector_load_idx %arg5[%parallel_loop3A_167, %add3A_5] : memref<200x128xf32, #tpu.memory_space<vmem>>[vector<16xi32>, vector<16xi32>], vector<16xf32>,
      %parallel_loop3A_169 = vector.bitcast %parallel_loop3A_168 : vector<16xf32> to vector<16xi32>
      %parallel_loop3A_170 = arith.index_cast %parallel_loop3A_164 : i32 to index
      %parallel_loop3A_171 = arith.constant 0 : index
      %parallel_loop3A_172 = tpu.vector_load %arg7[%parallel_loop3A_170, %parallel_loop3A_171] {strides = array<i32>} : memref<200x128xi32, #tpu.memory_space<vmem>>, vector<16xi32>,
      tpu.vector_store %arg7[%parallel_loop3A_170, %parallel_loop3A_171], %parallel_loop3A_169 {strides = array<i32>} : memref<200x128xi32, #tpu.memory_space<vmem>>, vector<16xi32>,
      %parallel_loop3A_173 = arith.index_cast %parallel_loop3A_164 : i32 to index
      %parallel_loop3A_174 = arith.constant 16 : index
      %parallel_loop3A_175 = tpu.vector_load %arg7[%parallel_loop3A_173, %parallel_loop3A_174] {strides = array<i32>} : memref<200x128xi32, #tpu.memory_space<vmem>>, vector<16xi32>,
      %parallel_loop3A_176 = tpu.vector_load_idx %arg5[%parallel_loop3A_175, %add3A_8] : memref<200x128xf32, #tpu.memory_space<vmem>>[vector<16xi32>, vector<16xi32>], vector<16xf32>,
      %parallel_loop3A_177 = vector.bitcast %parallel_loop3A_176 : vector<16xf32> to vector<16xi32>
      %parallel_loop3A_178 = arith.index_cast %parallel_loop3A_164 : i32 to index
      %parallel_loop3A_179 = arith.constant 16 : index
      %parallel_loop3A_180 = tpu.vector_load %arg7[%parallel_loop3A_178, %parallel_loop3A_179] {strides = array<i32>} : memref<200x128xi32, #tpu.memory_space<vmem>>, vector<16xi32>,
      tpu.vector_store %arg7[%parallel_loop3A_178, %parallel_loop3A_179], %parallel_loop3A_177 {strides = array<i32>} : memref<200x128xi32, #tpu.memory_space<vmem>>, vector<16xi32>,
      %parallel_loop3A_181 = arith.index_cast %parallel_loop3A_164 : i32 to index
      %parallel_loop3A_182 = arith.constant 32 : index
      %parallel_loop3A_183 = tpu.vector_load %arg7[%parallel_loop3A_181, %parallel_loop3A_182] {strides = array<i32>} : memref<200x128xi32, #tpu.memory_space<vmem>>, vector<16xi32>,
      %parallel_loop3A_184 = tpu.vector_load_idx %arg5[%parallel_loop3A_183, %add3A_11] : memref<200x128xf32, #tpu.memory_space<vmem>>[vector<16xi32>, vector<16xi32>], vector<16xf32>,
      %parallel_loop3A_185 = vector.bitcast %parallel_loop3A_184 : vector<16xf32> to vector<16xi32>
      %parallel_loop3A_186 = arith.index_cast %parallel_loop3A_164 : i32 to index
      %parallel_loop3A_187 = arith.constant 32 : index
      %parallel_loop3A_188 = tpu.vector_load %arg7[%parallel_loop3A_186, %parallel_loop3A_187] {strides = array<i32>} : memref<200x128xi32, #tpu.memory_space<vmem>>, vector<16xi32>,
      tpu.vector_store %arg7[%parallel_loop3A_186, %parallel_loop3A_187], %parallel_loop3A_185 {strides = array<i32>} : memref<200x128xi32, #tpu.memory_space<vmem>>, vector<16xi32>,
      %parallel_loop3A_189 = arith.index_cast %parallel_loop3A_164 : i32 to index
      %parallel_loop3A_190 = arith.constant 48 : index
      %parallel_loop3A_191 = tpu.vector_load %arg7[%parallel_loop3A_189, %parallel_loop3A_190] {strides = array<i32>} : memref<200x128xi32, #tpu.memory_space<vmem>>, vector<16xi32>,
      %parallel_loop3A_192 = tpu.vector_load_idx %arg5[%parallel_loop3A_191, %add3A_14] : memref<200x128xf32, #tpu.memory_space<vmem>>[vector<16xi32>, vector<16xi32>], vector<16xf32>,
      %parallel_loop3A_193 = vector.bitcast %parallel_loop3A_192 : vector<16xf32> to vector<16xi32>
      %parallel_loop3A_194 = arith.index_cast %parallel_loop3A_164 : i32 to index
      %parallel_loop3A_195 = arith.constant 48 : index
      %parallel_loop3A_196 = tpu.vector_load %arg7[%parallel_loop3A_194, %parallel_loop3A_195] {strides = array<i32>} : memref<200x128xi32, #tpu.memory_space<vmem>>, vector<16xi32>,
      tpu.vector_store %arg7[%parallel_loop3A_194, %parallel_loop3A_195], %parallel_loop3A_193 {strides = array<i32>} : memref<200x128xi32, #tpu.memory_space<vmem>>, vector<16xi32>,
      %parallel_loop3A_197 = arith.index_cast %parallel_loop3A_164 : i32 to index
      %parallel_loop3A_198 = arith.constant 64 : index
      %parallel_loop3A_199 = tpu.vector_load %arg7[%parallel_loop3A_197, %parallel_loop3A_198] {strides = array<i32>} : memref<200x128xi32, #tpu.memory_space<vmem>>, vector<16xi32>,
      %parallel_loop3A_200 = tpu.vector_load_idx %arg5[%parallel_loop3A_199, %add3A_17] : memref<200x128xf32, #tpu.memory_space<vmem>>[vector<16xi32>, vector<16xi32>], vector<16xf32>,
      %parallel_loop3A_201 = vector.bitcast %parallel_loop3A_200 : vector<16xf32> to vector<16xi32>
      %parallel_loop3A_202 = arith.index_cast %parallel_loop3A_164 : i32 to index
      %parallel_loop3A_203 = arith.constant 64 : index
      %parallel_loop3A_204 = tpu.vector_load %arg7[%parallel_loop3A_202, %parallel_loop3A_203] {strides = array<i32>} : memref<200x128xi32, #tpu.memory_space<vmem>>, vector<16xi32>,
      tpu.vector_store %arg7[%parallel_loop3A_202, %parallel_loop3A_203], %parallel_loop3A_201 {strides = array<i32>} : memref<200x128xi32, #tpu.memory_space<vmem>>, vector<16xi32>,
      %parallel_loop3A_205 = arith.index_cast %parallel_loop3A_164 : i32 to index
      %parallel_loop3A_206 = arith.constant 80 : index
      %parallel_loop3A_207 = tpu.vector_load %arg7[%parallel_loop3A_205, %parallel_loop3A_206] {strides = array<i32>} : memref<200x128xi32, #tpu.memory_space<vmem>>, vector<16xi32>,
      %parallel_loop3A_208 = tpu.vector_load_idx %arg5[%parallel_loop3A_207, %add3A_20] : memref<200x128xf32, #tpu.memory_space<vmem>>[vector<16xi32>, vector<16xi32>], vector<16xf32>,
      %parallel_loop3A_209 = vector.bitcast %parallel_loop3A_208 : vector<16xf32> to vector<16xi32>
      %parallel_loop3A_210 = arith.index_cast %parallel_loop3A_164 : i32 to index
      %parallel_loop3A_211 = arith.constant 80 : index
      %parallel_loop3A_212 = tpu.vector_load %arg7[%parallel_loop3A_210, %parallel_loop3A_211] {strides = array<i32>} : memref<200x128xi32, #tpu.memory_space<vmem>>, vector<16xi32>,
      tpu.vector_store %arg7[%parallel_loop3A_210, %parallel_loop3A_211], %parallel_loop3A_209 {strides = array<i32>} : memref<200x128xi32, #tpu.memory_space<vmem>>, vector<16xi32>,
      %parallel_loop3A_213 = arith.index_cast %parallel_loop3A_164 : i32 to index
      %parallel_loop3A_214 = arith.constant 96 : index
      %parallel_loop3A_215 = tpu.vector_load %arg7[%parallel_loop3A_213, %parallel_loop3A_214] {strides = array<i32>} : memref<200x128xi32, #tpu.memory_space<vmem>>, vector<16xi32>,
      %parallel_loop3A_216 = tpu.vector_load_idx %arg5[%parallel_loop3A_215, %add3A_23] : memref<200x128xf32, #tpu.memory_space<vmem>>[vector<16xi32>, vector<16xi32>], vector<16xf32>,
      %parallel_loop3A_217 = vector.bitcast %parallel_loop3A_216 : vector<16xf32> to vector<16xi32>
      %parallel_loop3A_218 = arith.index_cast %parallel_loop3A_164 : i32 to index
      %parallel_loop3A_219 = arith.constant 96 : index
      %parallel_loop3A_220 = tpu.vector_load %arg7[%parallel_loop3A_218, %parallel_loop3A_219] {strides = array<i32>} : memref<200x128xi32, #tpu.memory_space<vmem>>, vector<16xi32>,
      tpu.vector_store %arg7[%parallel_loop3A_218, %parallel_loop3A_219], %parallel_loop3A_217 {strides = array<i32>} : memref<200x128xi32, #tpu.memory_space<vmem>>, vector<16xi32>,
      %parallel_loop3A_221 = arith.index_cast %parallel_loop3A_164 : i32 to index
      %parallel_loop3A_222 = arith.constant 112 : index
      %parallel_loop3A_223 = tpu.vector_load %arg7[%parallel_loop3A_221, %parallel_loop3A_222] {strides = array<i32>} : memref<200x128xi32, #tpu.memory_space<vmem>>, vector<16xi32>,
      %parallel_loop3A_224 = tpu.vector_load_idx %arg5[%parallel_loop3A_223, %add3A_26] : memref<200x128xf32, #tpu.memory_space<vmem>>[vector<16xi32>, vector<16xi32>], vector<16xf32>,
      %parallel_loop3A_225 = vector.bitcast %parallel_loop3A_224 : vector<16xf32> to vector<16xi32>
      %parallel_loop3A_226 = arith.index_cast %parallel_loop3A_164 : i32 to index
      %parallel_loop3A_227 = arith.constant 112 : index
      %parallel_loop3A_228 = tpu.vector_load %arg7[%parallel_loop3A_226, %parallel_loop3A_227] {strides = array<i32>} : memref<200x128xi32, #tpu.memory_space<vmem>>, vector<16xi32>,
      tpu.vector_store %arg7[%parallel_loop3A_226, %parallel_loop3A_227], %parallel_loop3A_225 {strides = array<i32>} : memref<200x128xi32, #tpu.memory_space<vmem>>, vector<16xi32>,
    } {sc.loop_unroll_factor = 2 : i64, sc.parallel_access}
    %add3A_55 = arith.constant 0 : i32
    %add3A_56 = arith.addi %mul3A_2, %add3A_55 : i32
    %dma_start3A_57 = tpu.memref_bitcast %arg7 : memref<200x128xi32, #tpu.memory_space<vmem>> -> memref<200x128xf32, #tpu.memory_space<vmem>>
    %dma_start3A_58 = arith.constant 0 : i32
    %dma_start3A_59 = tpu.memref_slice %arg4[%dma_start3A_58, %add3A_56] : memref<200x16384xf32, #tpu.memory_space<hbm>> -> memref<200x128xf32, #tpu.memory_space<hbm>>
    %dma_start3A_60 = arith.constant 0 : i32
    %dma_start3A_61 = tpu.memref_slice %arg4[%dma_start3A_60, %add3A_56] : memref<200x16384xf32, #tpu.memory_space<hbm>> -> memref<200x128xf32, #tpu.memory_space<hbm>>
    %dma_start3A_62 = tpu.memref_bitcast %arg7 : memref<200x128xi32, #tpu.memory_space<vmem>> -> memref<200x128xf32, #tpu.memory_space<vmem>>
    tpu.enqueue_dma source(%dma_start3A_62 : memref<200x128xf32, #tpu.memory_space<vmem>>) target(%dma_start3A_61 : memref<200x128xf32, #tpu.memory_space<hbm>>) target_semaphore(%arg15 : memref<!tpu.dma_semaphore, #tpu.memory_space<semaphore_mem>>)
    %add3A_63 = arith.constant 256 : i32
    %add3A_64 = arith.addi %mul3A_2, %add3A_63 : i32
    %dma_start3A_65 = arith.constant 0 : i32
    %dma_start3A_66 = tpu.memref_slice %arg2[%dma_start3A_65, %add3A_64] : memref<200x16384xf32, #tpu.memory_space<hbm>> -> memref<200x128xf32, #tpu.memory_space<hbm>>
    %dma_start3A_67 = arith.constant 0 : i32
    %dma_start3A_68 = tpu.memref_slice %arg2[%dma_start3A_67, %add3A_64] : memref<200x16384xf32, #tpu.memory_space<hbm>> -> memref<200x128xf32, #tpu.memory_space<hbm>>
    tpu.enqueue_dma source(%dma_start3A_68 : memref<200x128xf32, #tpu.memory_space<hbm>>) target(%arg5 : memref<200x128xf32, #tpu.memory_space<vmem>>) target_semaphore(%arg10 : memref<!tpu.dma_semaphore, #tpu.memory_space<semaphore_mem>>)
    %dma_start3A_69 = arith.constant 0 : i32
    %dma_start3A_70 = tpu.memref_slice %arg3[%dma_start3A_69, %add3A_64] : memref<200x16384xi32, #tpu.memory_space<hbm>> -> memref<200x128xi32, #tpu.memory_space<hbm>>
    %dma_start3A_71 = arith.constant 0 : i32
    %dma_start3A_72 = tpu.memref_slice %arg3[%dma_start3A_71, %add3A_64] : memref<200x16384xi32, #tpu.memory_space<hbm>> -> memref<200x128xi32, #tpu.memory_space<hbm>>
    tpu.enqueue_dma source(%dma_start3A_72 : memref<200x128xi32, #tpu.memory_space<hbm>>) target(%arg9 : memref<200x128xi32, #tpu.memory_space<vmem>>) target_semaphore(%arg14 : memref<!tpu.dma_semaphore, #tpu.memory_space<semaphore_mem>>)
    %dma_wait3A_73 = arith.constant 0 : i32
    %dma_wait3A_74 = tpu.memref_slice %arg2[%dma_wait3A_73, %add3A_37] : memref<200x16384xf32, #tpu.memory_space<hbm>> -> memref<200x128xf32, #tpu.memory_space<hbm>>
    %dma_wait3A_75 = arith.constant 0 : i32
    %dma_wait3A_76 = tpu.memref_slice %arg2[%dma_wait3A_75, %add3A_37] : memref<200x16384xf32, #tpu.memory_space<hbm>> -> memref<200x128xf32, #tpu.memory_space<hbm>>
    tpu.wait_dma2 semaphore(%arg11 : memref<!tpu.dma_semaphore, #tpu.memory_space<semaphore_mem>>) src(%dma_wait3A_76 : memref<200x128xf32, #tpu.memory_space<hbm>>) dst(%arg6 : memref<200x128xf32, #tpu.memory_space<vmem>>)
    %dma_wait3A_77 = arith.constant 0 : i32
    %dma_wait3A_78 = tpu.memref_slice %arg3[%dma_wait3A_77, %add3A_37] : memref<200x16384xi32, #tpu.memory_space<hbm>> -> memref<200x128xi32, #tpu.memory_space<hbm>>
    %dma_wait3A_79 = arith.constant 0 : i32
    %dma_wait3A_80 = tpu.memref_slice %arg3[%dma_wait3A_79, %add3A_37] : memref<200x16384xi32, #tpu.memory_space<hbm>> -> memref<200x128xi32, #tpu.memory_space<hbm>>
    tpu.wait_dma2 semaphore(%arg13 : memref<!tpu.dma_semaphore, #tpu.memory_space<semaphore_mem>>) src(%dma_wait3A_80 : memref<200x128xi32, #tpu.memory_space<hbm>>) dst(%arg8 : memref<200x128xi32, #tpu.memory_space<vmem>>)
    %parallel_loop3A_81 = arith.constant 0 : i32
    %parallel_loop3A_82 = arith.constant 200 : i32
    %parallel_loop3A_83 = arith.constant 1 : i32
    scf.for %parallel_loop3A_164 = %parallel_loop3A_81 to %parallel_loop3A_82 step %parallel_loop3A_83  : i32 {
      %parallel_loop3A_165 = arith.index_cast %parallel_loop3A_164 : i32 to index
      %parallel_loop3A_166 = arith.constant 0 : index
      %parallel_loop3A_167 = tpu.vector_load %arg8[%parallel_loop3A_165, %parallel_loop3A_166] {strides = array<i32>} : memref<200x128xi32, #tpu.memory_space<vmem>>, vector<16xi32>,
      %parallel_loop3A_168 = tpu.vector_load_idx %arg6[%parallel_loop3A_167, %add3A_5] : memref<200x128xf32, #tpu.memory_space<vmem>>[vector<16xi32>, vector<16xi32>], vector<16xf32>,
      %parallel_loop3A_169 = vector.bitcast %parallel_loop3A_168 : vector<16xf32> to vector<16xi32>
      %parallel_loop3A_170 = arith.index_cast %parallel_loop3A_164 : i32 to index
      %parallel_loop3A_171 = arith.constant 0 : index
      %parallel_loop3A_172 = tpu.vector_load %arg8[%parallel_loop3A_170, %parallel_loop3A_171] {strides = array<i32>} : memref<200x128xi32, #tpu.memory_space<vmem>>, vector<16xi32>,
      tpu.vector_store %arg8[%parallel_loop3A_170, %parallel_loop3A_171], %parallel_loop3A_169 {strides = array<i32>} : memref<200x128xi32, #tpu.memory_space<vmem>>, vector<16xi32>,
      %parallel_loop3A_173 = arith.index_cast %parallel_loop3A_164 : i32 to index
      %parallel_loop3A_174 = arith.constant 16 : index
      %parallel_loop3A_175 = tpu.vector_load %arg8[%parallel_loop3A_173, %parallel_loop3A_174] {strides = array<i32>} : memref<200x128xi32, #tpu.memory_space<vmem>>, vector<16xi32>,
      %parallel_loop3A_176 = tpu.vector_load_idx %arg6[%parallel_loop3A_175, %add3A_8] : memref<200x128xf32, #tpu.memory_space<vmem>>[vector<16xi32>, vector<16xi32>], vector<16xf32>,
      %parallel_loop3A_177 = vector.bitcast %parallel_loop3A_176 : vector<16xf32> to vector<16xi32>
      %parallel_loop3A_178 = arith.index_cast %parallel_loop3A_164 : i32 to index
      %parallel_loop3A_179 = arith.constant 16 : index
      %parallel_loop3A_180 = tpu.vector_load %arg8[%parallel_loop3A_178, %parallel_loop3A_179] {strides = array<i32>} : memref<200x128xi32, #tpu.memory_space<vmem>>, vector<16xi32>,
      tpu.vector_store %arg8[%parallel_loop3A_178, %parallel_loop3A_179], %parallel_loop3A_177 {strides = array<i32>} : memref<200x128xi32, #tpu.memory_space<vmem>>, vector<16xi32>,
      %parallel_loop3A_181 = arith.index_cast %parallel_loop3A_164 : i32 to index
      %parallel_loop3A_182 = arith.constant 32 : index
      %parallel_loop3A_183 = tpu.vector_load %arg8[%parallel_loop3A_181, %parallel_loop3A_182] {strides = array<i32>} : memref<200x128xi32, #tpu.memory_space<vmem>>, vector<16xi32>,
      %parallel_loop3A_184 = tpu.vector_load_idx %arg6[%parallel_loop3A_183, %add3A_11] : memref<200x128xf32, #tpu.memory_space<vmem>>[vector<16xi32>, vector<16xi32>], vector<16xf32>,
      %parallel_loop3A_185 = vector.bitcast %parallel_loop3A_184 : vector<16xf32> to vector<16xi32>
      %parallel_loop3A_186 = arith.index_cast %parallel_loop3A_164 : i32 to index
      %parallel_loop3A_187 = arith.constant 32 : index
      %parallel_loop3A_188 = tpu.vector_load %arg8[%parallel_loop3A_186, %parallel_loop3A_187] {strides = array<i32>} : memref<200x128xi32, #tpu.memory_space<vmem>>, vector<16xi32>,
      tpu.vector_store %arg8[%parallel_loop3A_186, %parallel_loop3A_187], %parallel_loop3A_185 {strides = array<i32>} : memref<200x128xi32, #tpu.memory_space<vmem>>, vector<16xi32>,
      %parallel_loop3A_189 = arith.index_cast %parallel_loop3A_164 : i32 to index
      %parallel_loop3A_190 = arith.constant 48 : index
      %parallel_loop3A_191 = tpu.vector_load %arg8[%parallel_loop3A_189, %parallel_loop3A_190] {strides = array<i32>} : memref<200x128xi32, #tpu.memory_space<vmem>>, vector<16xi32>,
      %parallel_loop3A_192 = tpu.vector_load_idx %arg6[%parallel_loop3A_191, %add3A_14] : memref<200x128xf32, #tpu.memory_space<vmem>>[vector<16xi32>, vector<16xi32>], vector<16xf32>,
      %parallel_loop3A_193 = vector.bitcast %parallel_loop3A_192 : vector<16xf32> to vector<16xi32>
      %parallel_loop3A_194 = arith.index_cast %parallel_loop3A_164 : i32 to index
      %parallel_loop3A_195 = arith.constant 48 : index
      %parallel_loop3A_196 = tpu.vector_load %arg8[%parallel_loop3A_194, %parallel_loop3A_195] {strides = array<i32>} : memref<200x128xi32, #tpu.memory_space<vmem>>, vector<16xi32>,
      tpu.vector_store %arg8[%parallel_loop3A_194, %parallel_loop3A_195], %parallel_loop3A_193 {strides = array<i32>} : memref<200x128xi32, #tpu.memory_space<vmem>>, vector<16xi32>,
      %parallel_loop3A_197 = arith.index_cast %parallel_loop3A_164 : i32 to index
      %parallel_loop3A_198 = arith.constant 64 : index
      %parallel_loop3A_199 = tpu.vector_load %arg8[%parallel_loop3A_197, %parallel_loop3A_198] {strides = array<i32>} : memref<200x128xi32, #tpu.memory_space<vmem>>, vector<16xi32>,
      %parallel_loop3A_200 = tpu.vector_load_idx %arg6[%parallel_loop3A_199, %add3A_17] : memref<200x128xf32, #tpu.memory_space<vmem>>[vector<16xi32>, vector<16xi32>], vector<16xf32>,
      %parallel_loop3A_201 = vector.bitcast %parallel_loop3A_200 : vector<16xf32> to vector<16xi32>
      %parallel_loop3A_202 = arith.index_cast %parallel_loop3A_164 : i32 to index
      %parallel_loop3A_203 = arith.constant 64 : index
      %parallel_loop3A_204 = tpu.vector_load %arg8[%parallel_loop3A_202, %parallel_loop3A_203] {strides = array<i32>} : memref<200x128xi32, #tpu.memory_space<vmem>>, vector<16xi32>,
      tpu.vector_store %arg8[%parallel_loop3A_202, %parallel_loop3A_203], %parallel_loop3A_201 {strides = array<i32>} : memref<200x128xi32, #tpu.memory_space<vmem>>, vector<16xi32>,
      %parallel_loop3A_205 = arith.index_cast %parallel_loop3A_164 : i32 to index
      %parallel_loop3A_206 = arith.constant 80 : index
      %parallel_loop3A_207 = tpu.vector_load %arg8[%parallel_loop3A_205, %parallel_loop3A_206] {strides = array<i32>} : memref<200x128xi32, #tpu.memory_space<vmem>>, vector<16xi32>,
      %parallel_loop3A_208 = tpu.vector_load_idx %arg6[%parallel_loop3A_207, %add3A_20] : memref<200x128xf32, #tpu.memory_space<vmem>>[vector<16xi32>, vector<16xi32>], vector<16xf32>,
      %parallel_loop3A_209 = vector.bitcast %parallel_loop3A_208 : vector<16xf32> to vector<16xi32>
      %parallel_loop3A_210 = arith.index_cast %parallel_loop3A_164 : i32 to index
      %parallel_loop3A_211 = arith.constant 80 : index
      %parallel_loop3A_212 = tpu.vector_load %arg8[%parallel_loop3A_210, %parallel_loop3A_211] {strides = array<i32>} : memref<200x128xi32, #tpu.memory_space<vmem>>, vector<16xi32>,
      tpu.vector_store %arg8[%parallel_loop3A_210, %parallel_loop3A_211], %parallel_loop3A_209 {strides = array<i32>} : memref<200x128xi32, #tpu.memory_space<vmem>>, vector<16xi32>,
      %parallel_loop3A_213 = arith.index_cast %parallel_loop3A_164 : i32 to index
      %parallel_loop3A_214 = arith.constant 96 : index
      %parallel_loop3A_215 = tpu.vector_load %arg8[%parallel_loop3A_213, %parallel_loop3A_214] {strides = array<i32>} : memref<200x128xi32, #tpu.memory_space<vmem>>, vector<16xi32>,
      %parallel_loop3A_216 = tpu.vector_load_idx %arg6[%parallel_loop3A_215, %add3A_23] : memref<200x128xf32, #tpu.memory_space<vmem>>[vector<16xi32>, vector<16xi32>], vector<16xf32>,
      %parallel_loop3A_217 = vector.bitcast %parallel_loop3A_216 : vector<16xf32> to vector<16xi32>
      %parallel_loop3A_218 = arith.index_cast %parallel_loop3A_164 : i32 to index
      %parallel_loop3A_219 = arith.constant 96 : index
      %parallel_loop3A_220 = tpu.vector_load %arg8[%parallel_loop3A_218, %parallel_loop3A_219] {strides = array<i32>} : memref<200x128xi32, #tpu.memory_space<vmem>>, vector<16xi32>,
      tpu.vector_store %arg8[%parallel_loop3A_218, %parallel_loop3A_219], %parallel_loop3A_217 {strides = array<i32>} : memref<200x128xi32, #tpu.memory_space<vmem>>, vector<16xi32>,
      %parallel_loop3A_221 = arith.index_cast %parallel_loop3A_164 : i32 to index
      %parallel_loop3A_222 = arith.constant 112 : index
      %parallel_loop3A_223 = tpu.vector_load %arg8[%parallel_loop3A_221, %parallel_loop3A_222] {strides = array<i32>} : memref<200x128xi32, #tpu.memory_space<vmem>>, vector<16xi32>,
      %parallel_loop3A_224 = tpu.vector_load_idx %arg6[%parallel_loop3A_223, %add3A_26] : memref<200x128xf32, #tpu.memory_space<vmem>>[vector<16xi32>, vector<16xi32>], vector<16xf32>,
      %parallel_loop3A_225 = vector.bitcast %parallel_loop3A_224 : vector<16xf32> to vector<16xi32>
      %parallel_loop3A_226 = arith.index_cast %parallel_loop3A_164 : i32 to index
      %parallel_loop3A_227 = arith.constant 112 : index
      %parallel_loop3A_228 = tpu.vector_load %arg8[%parallel_loop3A_226, %parallel_loop3A_227] {strides = array<i32>} : memref<200x128xi32, #tpu.memory_space<vmem>>, vector<16xi32>,
      tpu.vector_store %arg8[%parallel_loop3A_226, %parallel_loop3A_227], %parallel_loop3A_225 {strides = array<i32>} : memref<200x128xi32, #tpu.memory_space<vmem>>, vector<16xi32>,
    } {sc.loop_unroll_factor = 2 : i64, sc.parallel_access}
    %add3A_84 = arith.constant 128 : i32
    %add3A_85 = arith.addi %mul3A_2, %add3A_84 : i32
    %dma_start3A_86 = tpu.memref_bitcast %arg8 : memref<200x128xi32, #tpu.memory_space<vmem>> -> memref<200x128xf32, #tpu.memory_space<vmem>>
    %dma_start3A_87 = arith.constant 0 : i32
    %dma_start3A_88 = tpu.memref_slice %arg4[%dma_start3A_87, %add3A_85] : memref<200x16384xf32, #tpu.memory_space<hbm>> -> memref<200x128xf32, #tpu.memory_space<hbm>>
    %dma_start3A_89 = arith.constant 0 : i32
    %dma_start3A_90 = tpu.memref_slice %arg4[%dma_start3A_89, %add3A_85] : memref<200x16384xf32, #tpu.memory_space<hbm>> -> memref<200x128xf32, #tpu.memory_space<hbm>>
    %dma_start3A_91 = tpu.memref_bitcast %arg8 : memref<200x128xi32, #tpu.memory_space<vmem>> -> memref<200x128xf32, #tpu.memory_space<vmem>>
    tpu.enqueue_dma source(%dma_start3A_91 : memref<200x128xf32, #tpu.memory_space<vmem>>) target(%dma_start3A_90 : memref<200x128xf32, #tpu.memory_space<hbm>>) target_semaphore(%arg16 : memref<!tpu.dma_semaphore, #tpu.memory_space<semaphore_mem>>)
    %dma_wait3A_92 = tpu.memref_bitcast %arg7 : memref<200x128xi32, #tpu.memory_space<vmem>> -> memref<200x128xf32, #tpu.memory_space<vmem>>
    %dma_wait3A_93 = arith.constant 0 : i32
    %dma_wait3A_94 = tpu.memref_slice %arg4[%dma_wait3A_93, %add3A_56] : memref<200x16384xf32, #tpu.memory_space<hbm>> -> memref<200x128xf32, #tpu.memory_space<hbm>>
    %dma_wait3A_95 = arith.constant 0 : i32
    %dma_wait3A_96 = tpu.memref_slice %arg4[%dma_wait3A_95, %add3A_56] : memref<200x16384xf32, #tpu.memory_space<hbm>> -> memref<200x128xf32, #tpu.memory_space<hbm>>
    %dma_wait3A_97 = tpu.memref_bitcast %arg7 : memref<200x128xi32, #tpu.memory_space<vmem>> -> memref<200x128xf32, #tpu.memory_space<vmem>>
    tpu.wait_dma2 semaphore(%arg15 : memref<!tpu.dma_semaphore, #tpu.memory_space<semaphore_mem>>) src(%dma_wait3A_97 : memref<200x128xf32, #tpu.memory_space<vmem>>) dst(%dma_wait3A_96 : memref<200x128xf32, #tpu.memory_space<hbm>>)
    %add3A_98 = arith.constant 384 : i32
    %add3A_99 = arith.addi %mul3A_2, %add3A_98 : i32
    %dma_start3A_100 = arith.constant 0 : i32
    %dma_start3A_101 = tpu.memref_slice %arg2[%dma_start3A_100, %add3A_99] : memref<200x16384xf32, #tpu.memory_space<hbm>> -> memref<200x128xf32, #tpu.memory_space<hbm>>
    %dma_start3A_102 = arith.constant 0 : i32
    %dma_start3A_103 = tpu.memref_slice %arg2[%dma_start3A_102, %add3A_99] : memref<200x16384xf32, #tpu.memory_space<hbm>> -> memref<200x128xf32, #tpu.memory_space<hbm>>
    tpu.enqueue_dma source(%dma_start3A_103 : memref<200x128xf32, #tpu.memory_space<hbm>>) target(%arg6 : memref<200x128xf32, #tpu.memory_space<vmem>>) target_semaphore(%arg11 : memref<!tpu.dma_semaphore, #tpu.memory_space<semaphore_mem>>)
    %dma_start3A_104 = arith.constant 0 : i32
    %dma_start3A_105 = tpu.memref_slice %arg3[%dma_start3A_104, %add3A_99] : memref<200x16384xi32, #tpu.memory_space<hbm>> -> memref<200x128xi32, #tpu.memory_space<hbm>>
    %dma_start3A_106 = arith.constant 0 : i32
    %dma_start3A_107 = tpu.memref_slice %arg3[%dma_start3A_106, %add3A_99] : memref<200x16384xi32, #tpu.memory_space<hbm>> -> memref<200x128xi32, #tpu.memory_space<hbm>>
    tpu.enqueue_dma source(%dma_start3A_107 : memref<200x128xi32, #tpu.memory_space<hbm>>) target(%arg7 : memref<200x128xi32, #tpu.memory_space<vmem>>) target_semaphore(%arg12 : memref<!tpu.dma_semaphore, #tpu.memory_space<semaphore_mem>>)
    %dma_wait3A_108 = arith.constant 0 : i32
    %dma_wait3A_109 = tpu.memref_slice %arg2[%dma_wait3A_108, %add3A_64] : memref<200x16384xf32, #tpu.memory_space<hbm>> -> memref<200x128xf32, #tpu.memory_space<hbm>>
    %dma_wait3A_110 = arith.constant 0 : i32
    %dma_wait3A_111 = tpu.memref_slice %arg2[%dma_wait3A_110, %add3A_64] : memref<200x16384xf32, #tpu.memory_space<hbm>> -> memref<200x128xf32, #tpu.memory_space<hbm>>
    tpu.wait_dma2 semaphore(%arg10 : memref<!tpu.dma_semaphore, #tpu.memory_space<semaphore_mem>>) src(%dma_wait3A_111 : memref<200x128xf32, #tpu.memory_space<hbm>>) dst(%arg5 : memref<200x128xf32, #tpu.memory_space<vmem>>)
    %dma_wait3A_112 = arith.constant 0 : i32
    %dma_wait3A_113 = tpu.memref_slice %arg3[%dma_wait3A_112, %add3A_64] : memref<200x16384xi32, #tpu.memory_space<hbm>> -> memref<200x128xi32, #tpu.memory_space<hbm>>
    %dma_wait3A_114 = arith.constant 0 : i32
    %dma_wait3A_115 = tpu.memref_slice %arg3[%dma_wait3A_114, %add3A_64] : memref<200x16384xi32, #tpu.memory_space<hbm>> -> memref<200x128xi32, #tpu.memory_space<hbm>>
    tpu.wait_dma2 semaphore(%arg14 : memref<!tpu.dma_semaphore, #tpu.memory_space<semaphore_mem>>) src(%dma_wait3A_115 : memref<200x128xi32, #tpu.memory_space<hbm>>) dst(%arg9 : memref<200x128xi32, #tpu.memory_space<vmem>>)
    %parallel_loop3A_116 = arith.constant 0 : i32
    %parallel_loop3A_117 = arith.constant 200 : i32
    %parallel_loop3A_118 = arith.constant 1 : i32
    scf.for %parallel_loop3A_164 = %parallel_loop3A_116 to %parallel_loop3A_117 step %parallel_loop3A_118  : i32 {
      %parallel_loop3A_165 = arith.index_cast %parallel_loop3A_164 : i32 to index
      %parallel_loop3A_166 = arith.constant 0 : index
      %parallel_loop3A_167 = tpu.vector_load %arg9[%parallel_loop3A_165, %parallel_loop3A_166] {strides = array<i32>} : memref<200x128xi32, #tpu.memory_space<vmem>>, vector<16xi32>,
      %parallel_loop3A_168 = tpu.vector_load_idx %arg5[%parallel_loop3A_167, %add3A_5] : memref<200x128xf32, #tpu.memory_space<vmem>>[vector<16xi32>, vector<16xi32>], vector<16xf32>,
      %parallel_loop3A_169 = vector.bitcast %parallel_loop3A_168 : vector<16xf32> to vector<16xi32>
      %parallel_loop3A_170 = arith.index_cast %parallel_loop3A_164 : i32 to index
      %parallel_loop3A_171 = arith.constant 0 : index
      %parallel_loop3A_172 = tpu.vector_load %arg9[%parallel_loop3A_170, %parallel_loop3A_171] {strides = array<i32>} : memref<200x128xi32, #tpu.memory_space<vmem>>, vector<16xi32>,
      tpu.vector_store %arg9[%parallel_loop3A_170, %parallel_loop3A_171], %parallel_loop3A_169 {strides = array<i32>} : memref<200x128xi32, #tpu.memory_space<vmem>>, vector<16xi32>,
      %parallel_loop3A_173 = arith.index_cast %parallel_loop3A_164 : i32 to index
      %parallel_loop3A_174 = arith.constant 16 : index
      %parallel_loop3A_175 = tpu.vector_load %arg9[%parallel_loop3A_173, %parallel_loop3A_174] {strides = array<i32>} : memref<200x128xi32, #tpu.memory_space<vmem>>, vector<16xi32>,
      %parallel_loop3A_176 = tpu.vector_load_idx %arg5[%parallel_loop3A_175, %add3A_8] : memref<200x128xf32, #tpu.memory_space<vmem>>[vector<16xi32>, vector<16xi32>], vector<16xf32>,
      %parallel_loop3A_177 = vector.bitcast %parallel_loop3A_176 : vector<16xf32> to vector<16xi32>
      %parallel_loop3A_178 = arith.index_cast %parallel_loop3A_164 : i32 to index
      %parallel_loop3A_179 = arith.constant 16 : index
      %parallel_loop3A_180 = tpu.vector_load %arg9[%parallel_loop3A_178, %parallel_loop3A_179] {strides = array<i32>} : memref<200x128xi32, #tpu.memory_space<vmem>>, vector<16xi32>,
      tpu.vector_store %arg9[%parallel_loop3A_178, %parallel_loop3A_179], %parallel_loop3A_177 {strides = array<i32>} : memref<200x128xi32, #tpu.memory_space<vmem>>, vector<16xi32>,
      %parallel_loop3A_181 = arith.index_cast %parallel_loop3A_164 : i32 to index
      %parallel_loop3A_182 = arith.constant 32 : index
      %parallel_loop3A_183 = tpu.vector_load %arg9[%parallel_loop3A_181, %parallel_loop3A_182] {strides = array<i32>} : memref<200x128xi32, #tpu.memory_space<vmem>>, vector<16xi32>,
      %parallel_loop3A_184 = tpu.vector_load_idx %arg5[%parallel_loop3A_183, %add3A_11] : memref<200x128xf32, #tpu.memory_space<vmem>>[vector<16xi32>, vector<16xi32>], vector<16xf32>,
      %parallel_loop3A_185 = vector.bitcast %parallel_loop3A_184 : vector<16xf32> to vector<16xi32>
      %parallel_loop3A_186 = arith.index_cast %parallel_loop3A_164 : i32 to index
      %parallel_loop3A_187 = arith.constant 32 : index
      %parallel_loop3A_188 = tpu.vector_load %arg9[%parallel_loop3A_186, %parallel_loop3A_187] {strides = array<i32>} : memref<200x128xi32, #tpu.memory_space<vmem>>, vector<16xi32>,
      tpu.vector_store %arg9[%parallel_loop3A_186, %parallel_loop3A_187], %parallel_loop3A_185 {strides = array<i32>} : memref<200x128xi32, #tpu.memory_space<vmem>>, vector<16xi32>,
      %parallel_loop3A_189 = arith.index_cast %parallel_loop3A_164 : i32 to index
      %parallel_loop3A_190 = arith.constant 48 : index
      %parallel_loop3A_191 = tpu.vector_load %arg9[%parallel_loop3A_189, %parallel_loop3A_190] {strides = array<i32>} : memref<200x128xi32, #tpu.memory_space<vmem>>, vector<16xi32>,
      %parallel_loop3A_192 = tpu.vector_load_idx %arg5[%parallel_loop3A_191, %add3A_14] : memref<200x128xf32, #tpu.memory_space<vmem>>[vector<16xi32>, vector<16xi32>], vector<16xf32>,
      %parallel_loop3A_193 = vector.bitcast %parallel_loop3A_192 : vector<16xf32> to vector<16xi32>
      %parallel_loop3A_194 = arith.index_cast %parallel_loop3A_164 : i32 to index
      %parallel_loop3A_195 = arith.constant 48 : index
      %parallel_loop3A_196 = tpu.vector_load %arg9[%parallel_loop3A_194, %parallel_loop3A_195] {strides = array<i32>} : memref<200x128xi32, #tpu.memory_space<vmem>>, vector<16xi32>,
      tpu.vector_store %arg9[%parallel_loop3A_194, %parallel_loop3A_195], %parallel_loop3A_193 {strides = array<i32>} : memref<200x128xi32, #tpu.memory_space<vmem>>, vector<16xi32>,
      %parallel_loop3A_197 = arith.index_cast %parallel_loop3A_164 : i32 to index
      %parallel_loop3A_198 = arith.constant 64 : index
      %parallel_loop3A_199 = tpu.vector_load %arg9[%parallel_loop3A_197, %parallel_loop3A_198] {strides = array<i32>} : memref<200x128xi32, #tpu.memory_space<vmem>>, vector<16xi32>,
      %parallel_loop3A_200 = tpu.vector_load_idx %arg5[%parallel_loop3A_199, %add3A_17] : memref<200x128xf32, #tpu.memory_space<vmem>>[vector<16xi32>, vector<16xi32>], vector<16xf32>,
      %parallel_loop3A_201 = vector.bitcast %parallel_loop3A_200 : vector<16xf32> to vector<16xi32>
      %parallel_loop3A_202 = arith.index_cast %parallel_loop3A_164 : i32 to index
      %parallel_loop3A_203 = arith.constant 64 : index
      %parallel_loop3A_204 = tpu.vector_load %arg9[%parallel_loop3A_202, %parallel_loop3A_203] {strides = array<i32>} : memref<200x128xi32, #tpu.memory_space<vmem>>, vector<16xi32>,
      tpu.vector_store %arg9[%parallel_loop3A_202, %parallel_loop3A_203], %parallel_loop3A_201 {strides = array<i32>} : memref<200x128xi32, #tpu.memory_space<vmem>>, vector<16xi32>,
      %parallel_loop3A_205 = arith.index_cast %parallel_loop3A_164 : i32 to index
      %parallel_loop3A_206 = arith.constant 80 : index
      %parallel_loop3A_207 = tpu.vector_load %arg9[%parallel_loop3A_205, %parallel_loop3A_206] {strides = array<i32>} : memref<200x128xi32, #tpu.memory_space<vmem>>, vector<16xi32>,
      %parallel_loop3A_208 = tpu.vector_load_idx %arg5[%parallel_loop3A_207, %add3A_20] : memref<200x128xf32, #tpu.memory_space<vmem>>[vector<16xi32>, vector<16xi32>], vector<16xf32>,
      %parallel_loop3A_209 = vector.bitcast %parallel_loop3A_208 : vector<16xf32> to vector<16xi32>
      %parallel_loop3A_210 = arith.index_cast %parallel_loop3A_164 : i32 to index
      %parallel_loop3A_211 = arith.constant 80 : index
      %parallel_loop3A_212 = tpu.vector_load %arg9[%parallel_loop3A_210, %parallel_loop3A_211] {strides = array<i32>} : memref<200x128xi32, #tpu.memory_space<vmem>>, vector<16xi32>,
      tpu.vector_store %arg9[%parallel_loop3A_210, %parallel_loop3A_211], %parallel_loop3A_209 {strides = array<i32>} : memref<200x128xi32, #tpu.memory_space<vmem>>, vector<16xi32>,
      %parallel_loop3A_213 = arith.index_cast %parallel_loop3A_164 : i32 to index
      %parallel_loop3A_214 = arith.constant 96 : index
      %parallel_loop3A_215 = tpu.vector_load %arg9[%parallel_loop3A_213, %parallel_loop3A_214] {strides = array<i32>} : memref<200x128xi32, #tpu.memory_space<vmem>>, vector<16xi32>,
      %parallel_loop3A_216 = tpu.vector_load_idx %arg5[%parallel_loop3A_215, %add3A_23] : memref<200x128xf32, #tpu.memory_space<vmem>>[vector<16xi32>, vector<16xi32>], vector<16xf32>,
      %parallel_loop3A_217 = vector.bitcast %parallel_loop3A_216 : vector<16xf32> to vector<16xi32>
      %parallel_loop3A_218 = arith.index_cast %parallel_loop3A_164 : i32 to index
      %parallel_loop3A_219 = arith.constant 96 : index
      %parallel_loop3A_220 = tpu.vector_load %arg9[%parallel_loop3A_218, %parallel_loop3A_219] {strides = array<i32>} : memref<200x128xi32, #tpu.memory_space<vmem>>, vector<16xi32>,
      tpu.vector_store %arg9[%parallel_loop3A_218, %parallel_loop3A_219], %parallel_loop3A_217 {strides = array<i32>} : memref<200x128xi32, #tpu.memory_space<vmem>>, vector<16xi32>,
      %parallel_loop3A_221 = arith.index_cast %parallel_loop3A_164 : i32 to index
      %parallel_loop3A_222 = arith.constant 112 : index
      %parallel_loop3A_223 = tpu.vector_load %arg9[%parallel_loop3A_221, %parallel_loop3A_222] {strides = array<i32>} : memref<200x128xi32, #tpu.memory_space<vmem>>, vector<16xi32>,
      %parallel_loop3A_224 = tpu.vector_load_idx %arg5[%parallel_loop3A_223, %add3A_26] : memref<200x128xf32, #tpu.memory_space<vmem>>[vector<16xi32>, vector<16xi32>], vector<16xf32>,
      %parallel_loop3A_225 = vector.bitcast %parallel_loop3A_224 : vector<16xf32> to vector<16xi32>
      %parallel_loop3A_226 = arith.index_cast %parallel_loop3A_164 : i32 to index
      %parallel_loop3A_227 = arith.constant 112 : index
      %parallel_loop3A_228 = tpu.vector_load %arg9[%parallel_loop3A_226, %parallel_loop3A_227] {strides = array<i32>} : memref<200x128xi32, #tpu.memory_space<vmem>>, vector<16xi32>,
      tpu.vector_store %arg9[%parallel_loop3A_226, %parallel_loop3A_227], %parallel_loop3A_225 {strides = array<i32>} : memref<200x128xi32, #tpu.memory_space<vmem>>, vector<16xi32>,
    } {sc.loop_unroll_factor = 2 : i64, sc.parallel_access}
    %add3A_119 = arith.constant 256 : i32
    %add3A_120 = arith.addi %mul3A_2, %add3A_119 : i32
    %dma_start3A_121 = tpu.memref_bitcast %arg9 : memref<200x128xi32, #tpu.memory_space<vmem>> -> memref<200x128xf32, #tpu.memory_space<vmem>>
    %dma_start3A_122 = arith.constant 0 : i32
    %dma_start3A_123 = tpu.memref_slice %arg4[%dma_start3A_122, %add3A_120] : memref<200x16384xf32, #tpu.memory_space<hbm>> -> memref<200x128xf32, #tpu.memory_space<hbm>>
    %dma_start3A_124 = arith.constant 0 : i32
    %dma_start3A_125 = tpu.memref_slice %arg4[%dma_start3A_124, %add3A_120] : memref<200x16384xf32, #tpu.memory_space<hbm>> -> memref<200x128xf32, #tpu.memory_space<hbm>>
    %dma_start3A_126 = tpu.memref_bitcast %arg9 : memref<200x128xi32, #tpu.memory_space<vmem>> -> memref<200x128xf32, #tpu.memory_space<vmem>>
    tpu.enqueue_dma source(%dma_start3A_126 : memref<200x128xf32, #tpu.memory_space<vmem>>) target(%dma_start3A_125 : memref<200x128xf32, #tpu.memory_space<hbm>>) target_semaphore(%arg17 : memref<!tpu.dma_semaphore, #tpu.memory_space<semaphore_mem>>)
    %dma_wait3A_127 = arith.constant 0 : i32
    %dma_wait3A_128 = tpu.memref_slice %arg2[%dma_wait3A_127, %add3A_99] : memref<200x16384xf32, #tpu.memory_space<hbm>> -> memref<200x128xf32, #tpu.memory_space<hbm>>
    %dma_wait3A_129 = arith.constant 0 : i32
    %dma_wait3A_130 = tpu.memref_slice %arg2[%dma_wait3A_129, %add3A_99] : memref<200x16384xf32, #tpu.memory_space<hbm>> -> memref<200x128xf32, #tpu.memory_space<hbm>>
    tpu.wait_dma2 semaphore(%arg11 : memref<!tpu.dma_semaphore, #tpu.memory_space<semaphore_mem>>) src(%dma_wait3A_130 : memref<200x128xf32, #tpu.memory_space<hbm>>) dst(%arg6 : memref<200x128xf32, #tpu.memory_space<vmem>>)
    %dma_wait3A_131 = arith.constant 0 : i32
    %dma_wait3A_132 = tpu.memref_slice %arg3[%dma_wait3A_131, %add3A_99] : memref<200x16384xi32, #tpu.memory_space<hbm>> -> memref<200x128xi32, #tpu.memory_space<hbm>>
    %dma_wait3A_133 = arith.constant 0 : i32
    %dma_wait3A_134 = tpu.memref_slice %arg3[%dma_wait3A_133, %add3A_99] : memref<200x16384xi32, #tpu.memory_space<hbm>> -> memref<200x128xi32, #tpu.memory_space<hbm>>
    tpu.wait_dma2 semaphore(%arg12 : memref<!tpu.dma_semaphore, #tpu.memory_space<semaphore_mem>>) src(%dma_wait3A_134 : memref<200x128xi32, #tpu.memory_space<hbm>>) dst(%arg7 : memref<200x128xi32, #tpu.memory_space<vmem>>)
    %parallel_loop3A_135 = arith.constant 0 : i32
    %parallel_loop3A_136 = arith.constant 200 : i32
    %parallel_loop3A_137 = arith.constant 1 : i32
    scf.for %parallel_loop3A_164 = %parallel_loop3A_135 to %parallel_loop3A_136 step %parallel_loop3A_137  : i32 {
      %parallel_loop3A_165 = arith.index_cast %parallel_loop3A_164 : i32 to index
      %parallel_loop3A_166 = arith.constant 0 : index
      %parallel_loop3A_167 = tpu.vector_load %arg7[%parallel_loop3A_165, %parallel_loop3A_166] {strides = array<i32>} : memref<200x128xi32, #tpu.memory_space<vmem>>, vector<16xi32>,
      %parallel_loop3A_168 = tpu.vector_load_idx %arg6[%parallel_loop3A_167, %add3A_5] : memref<200x128xf32, #tpu.memory_space<vmem>>[vector<16xi32>, vector<16xi32>], vector<16xf32>,
      %parallel_loop3A_169 = vector.bitcast %parallel_loop3A_168 : vector<16xf32> to vector<16xi32>
      %parallel_loop3A_170 = arith.index_cast %parallel_loop3A_164 : i32 to index
      %parallel_loop3A_171 = arith.constant 0 : index
      %parallel_loop3A_172 = tpu.vector_load %arg7[%parallel_loop3A_170, %parallel_loop3A_171] {strides = array<i32>} : memref<200x128xi32, #tpu.memory_space<vmem>>, vector<16xi32>,
      tpu.vector_store %arg7[%parallel_loop3A_170, %parallel_loop3A_171], %parallel_loop3A_169 {strides = array<i32>} : memref<200x128xi32, #tpu.memory_space<vmem>>, vector<16xi32>,
      %parallel_loop3A_173 = arith.index_cast %parallel_loop3A_164 : i32 to index
      %parallel_loop3A_174 = arith.constant 16 : index
      %parallel_loop3A_175 = tpu.vector_load %arg7[%parallel_loop3A_173, %parallel_loop3A_174] {strides = array<i32>} : memref<200x128xi32, #tpu.memory_space<vmem>>, vector<16xi32>,
      %parallel_loop3A_176 = tpu.vector_load_idx %arg6[%parallel_loop3A_175, %add3A_8] : memref<200x128xf32, #tpu.memory_space<vmem>>[vector<16xi32>, vector<16xi32>], vector<16xf32>,
      %parallel_loop3A_177 = vector.bitcast %parallel_loop3A_176 : vector<16xf32> to vector<16xi32>
      %parallel_loop3A_178 = arith.index_cast %parallel_loop3A_164 : i32 to index
      %parallel_loop3A_179 = arith.constant 16 : index
      %parallel_loop3A_180 = tpu.vector_load %arg7[%parallel_loop3A_178, %parallel_loop3A_179] {strides = array<i32>} : memref<200x128xi32, #tpu.memory_space<vmem>>, vector<16xi32>,
      tpu.vector_store %arg7[%parallel_loop3A_178, %parallel_loop3A_179], %parallel_loop3A_177 {strides = array<i32>} : memref<200x128xi32, #tpu.memory_space<vmem>>, vector<16xi32>,
      %parallel_loop3A_181 = arith.index_cast %parallel_loop3A_164 : i32 to index
      %parallel_loop3A_182 = arith.constant 32 : index
      %parallel_loop3A_183 = tpu.vector_load %arg7[%parallel_loop3A_181, %parallel_loop3A_182] {strides = array<i32>} : memref<200x128xi32, #tpu.memory_space<vmem>>, vector<16xi32>,
      %parallel_loop3A_184 = tpu.vector_load_idx %arg6[%parallel_loop3A_183, %add3A_11] : memref<200x128xf32, #tpu.memory_space<vmem>>[vector<16xi32>, vector<16xi32>], vector<16xf32>,
      %parallel_loop3A_185 = vector.bitcast %parallel_loop3A_184 : vector<16xf32> to vector<16xi32>
      %parallel_loop3A_186 = arith.index_cast %parallel_loop3A_164 : i32 to index
      %parallel_loop3A_187 = arith.constant 32 : index
      %parallel_loop3A_188 = tpu.vector_load %arg7[%parallel_loop3A_186, %parallel_loop3A_187] {strides = array<i32>} : memref<200x128xi32, #tpu.memory_space<vmem>>, vector<16xi32>,
      tpu.vector_store %arg7[%parallel_loop3A_186, %parallel_loop3A_187], %parallel_loop3A_185 {strides = array<i32>} : memref<200x128xi32, #tpu.memory_space<vmem>>, vector<16xi32>,
      %parallel_loop3A_189 = arith.index_cast %parallel_loop3A_164 : i32 to index
      %parallel_loop3A_190 = arith.constant 48 : index
      %parallel_loop3A_191 = tpu.vector_load %arg7[%parallel_loop3A_189, %parallel_loop3A_190] {strides = array<i32>} : memref<200x128xi32, #tpu.memory_space<vmem>>, vector<16xi32>,
      %parallel_loop3A_192 = tpu.vector_load_idx %arg6[%parallel_loop3A_191, %add3A_14] : memref<200x128xf32, #tpu.memory_space<vmem>>[vector<16xi32>, vector<16xi32>], vector<16xf32>,
      %parallel_loop3A_193 = vector.bitcast %parallel_loop3A_192 : vector<16xf32> to vector<16xi32>
      %parallel_loop3A_194 = arith.index_cast %parallel_loop3A_164 : i32 to index
      %parallel_loop3A_195 = arith.constant 48 : index
      %parallel_loop3A_196 = tpu.vector_load %arg7[%parallel_loop3A_194, %parallel_loop3A_195] {strides = array<i32>} : memref<200x128xi32, #tpu.memory_space<vmem>>, vector<16xi32>,
      tpu.vector_store %arg7[%parallel_loop3A_194, %parallel_loop3A_195], %parallel_loop3A_193 {strides = array<i32>} : memref<200x128xi32, #tpu.memory_space<vmem>>, vector<16xi32>,
      %parallel_loop3A_197 = arith.index_cast %parallel_loop3A_164 : i32 to index
      %parallel_loop3A_198 = arith.constant 64 : index
      %parallel_loop3A_199 = tpu.vector_load %arg7[%parallel_loop3A_197, %parallel_loop3A_198] {strides = array<i32>} : memref<200x128xi32, #tpu.memory_space<vmem>>, vector<16xi32>,
      %parallel_loop3A_200 = tpu.vector_load_idx %arg6[%parallel_loop3A_199, %add3A_17] : memref<200x128xf32, #tpu.memory_space<vmem>>[vector<16xi32>, vector<16xi32>], vector<16xf32>,
      %parallel_loop3A_201 = vector.bitcast %parallel_loop3A_200 : vector<16xf32> to vector<16xi32>
      %parallel_loop3A_202 = arith.index_cast %parallel_loop3A_164 : i32 to index
      %parallel_loop3A_203 = arith.constant 64 : index
      %parallel_loop3A_204 = tpu.vector_load %arg7[%parallel_loop3A_202, %parallel_loop3A_203] {strides = array<i32>} : memref<200x128xi32, #tpu.memory_space<vmem>>, vector<16xi32>,
      tpu.vector_store %arg7[%parallel_loop3A_202, %parallel_loop3A_203], %parallel_loop3A_201 {strides = array<i32>} : memref<200x128xi32, #tpu.memory_space<vmem>>, vector<16xi32>,
      %parallel_loop3A_205 = arith.index_cast %parallel_loop3A_164 : i32 to index
      %parallel_loop3A_206 = arith.constant 80 : index
      %parallel_loop3A_207 = tpu.vector_load %arg7[%parallel_loop3A_205, %parallel_loop3A_206] {strides = array<i32>} : memref<200x128xi32, #tpu.memory_space<vmem>>, vector<16xi32>,
      %parallel_loop3A_208 = tpu.vector_load_idx %arg6[%parallel_loop3A_207, %add3A_20] : memref<200x128xf32, #tpu.memory_space<vmem>>[vector<16xi32>, vector<16xi32>], vector<16xf32>,
      %parallel_loop3A_209 = vector.bitcast %parallel_loop3A_208 : vector<16xf32> to vector<16xi32>
      %parallel_loop3A_210 = arith.index_cast %parallel_loop3A_164 : i32 to index
      %parallel_loop3A_211 = arith.constant 80 : index
      %parallel_loop3A_212 = tpu.vector_load %arg7[%parallel_loop3A_210, %parallel_loop3A_211] {strides = array<i32>} : memref<200x128xi32, #tpu.memory_space<vmem>>, vector<16xi32>,
      tpu.vector_store %arg7[%parallel_loop3A_210, %parallel_loop3A_211], %parallel_loop3A_209 {strides = array<i32>} : memref<200x128xi32, #tpu.memory_space<vmem>>, vector<16xi32>,
      %parallel_loop3A_213 = arith.index_cast %parallel_loop3A_164 : i32 to index
      %parallel_loop3A_214 = arith.constant 96 : index
      %parallel_loop3A_215 = tpu.vector_load %arg7[%parallel_loop3A_213, %parallel_loop3A_214] {strides = array<i32>} : memref<200x128xi32, #tpu.memory_space<vmem>>, vector<16xi32>,
      %parallel_loop3A_216 = tpu.vector_load_idx %arg6[%parallel_loop3A_215, %add3A_23] : memref<200x128xf32, #tpu.memory_space<vmem>>[vector<16xi32>, vector<16xi32>], vector<16xf32>,
      %parallel_loop3A_217 = vector.bitcast %parallel_loop3A_216 : vector<16xf32> to vector<16xi32>
      %parallel_loop3A_218 = arith.index_cast %parallel_loop3A_164 : i32 to index
      %parallel_loop3A_219 = arith.constant 96 : index
      %parallel_loop3A_220 = tpu.vector_load %arg7[%parallel_loop3A_218, %parallel_loop3A_219] {strides = array<i32>} : memref<200x128xi32, #tpu.memory_space<vmem>>, vector<16xi32>,
      tpu.vector_store %arg7[%parallel_loop3A_218, %parallel_loop3A_219], %parallel_loop3A_217 {strides = array<i32>} : memref<200x128xi32, #tpu.memory_space<vmem>>, vector<16xi32>,
      %parallel_loop3A_221 = arith.index_cast %parallel_loop3A_164 : i32 to index
      %parallel_loop3A_222 = arith.constant 112 : index
      %parallel_loop3A_223 = tpu.vector_load %arg7[%parallel_loop3A_221, %parallel_loop3A_222] {strides = array<i32>} : memref<200x128xi32, #tpu.memory_space<vmem>>, vector<16xi32>,
      %parallel_loop3A_224 = tpu.vector_load_idx %arg6[%parallel_loop3A_223, %add3A_26] : memref<200x128xf32, #tpu.memory_space<vmem>>[vector<16xi32>, vector<16xi32>], vector<16xf32>,
      %parallel_loop3A_225 = vector.bitcast %parallel_loop3A_224 : vector<16xf32> to vector<16xi32>
      %parallel_loop3A_226 = arith.index_cast %parallel_loop3A_164 : i32 to index
      %parallel_loop3A_227 = arith.constant 112 : index
      %parallel_loop3A_228 = tpu.vector_load %arg7[%parallel_loop3A_226, %parallel_loop3A_227] {strides = array<i32>} : memref<200x128xi32, #tpu.memory_space<vmem>>, vector<16xi32>,
      tpu.vector_store %arg7[%parallel_loop3A_226, %parallel_loop3A_227], %parallel_loop3A_225 {strides = array<i32>} : memref<200x128xi32, #tpu.memory_space<vmem>>, vector<16xi32>,
    } {sc.loop_unroll_factor = 2 : i64, sc.parallel_access}
    %add3A_138 = arith.constant 384 : i32
    %add3A_139 = arith.addi %mul3A_2, %add3A_138 : i32
    %dma_start3A_140 = tpu.memref_bitcast %arg7 : memref<200x128xi32, #tpu.memory_space<vmem>> -> memref<200x128xf32, #tpu.memory_space<vmem>>
    %dma_start3A_141 = arith.constant 0 : i32
    %dma_start3A_142 = tpu.memref_slice %arg4[%dma_start3A_141, %add3A_139] : memref<200x16384xf32, #tpu.memory_space<hbm>> -> memref<200x128xf32, #tpu.memory_space<hbm>>
    %dma_start3A_143 = arith.constant 0 : i32
    %dma_start3A_144 = tpu.memref_slice %arg4[%dma_start3A_143, %add3A_139] : memref<200x16384xf32, #tpu.memory_space<hbm>> -> memref<200x128xf32, #tpu.memory_space<hbm>>
    %dma_start3A_145 = tpu.memref_bitcast %arg7 : memref<200x128xi32, #tpu.memory_space<vmem>> -> memref<200x128xf32, #tpu.memory_space<vmem>>
    tpu.enqueue_dma source(%dma_start3A_145 : memref<200x128xf32, #tpu.memory_space<vmem>>) target(%dma_start3A_144 : memref<200x128xf32, #tpu.memory_space<hbm>>) target_semaphore(%arg15 : memref<!tpu.dma_semaphore, #tpu.memory_space<semaphore_mem>>)
    %dma_wait3A_146 = tpu.memref_bitcast %arg8 : memref<200x128xi32, #tpu.memory_space<vmem>> -> memref<200x128xf32, #tpu.memory_space<vmem>>
    %dma_wait3A_147 = arith.constant 0 : i32
    %dma_wait3A_148 = tpu.memref_slice %arg4[%dma_wait3A_147, %add3A_85] : memref<200x16384xf32, #tpu.memory_space<hbm>> -> memref<200x128xf32, #tpu.memory_space<hbm>>
    %dma_wait3A_149 = arith.constant 0 : i32
    %dma_wait3A_150 = tpu.memref_slice %arg4[%dma_wait3A_149, %add3A_85] : memref<200x16384xf32, #tpu.memory_space<hbm>> -> memref<200x128xf32, #tpu.memory_space<hbm>>
    %dma_wait3A_151 = tpu.memref_bitcast %arg8 : memref<200x128xi32, #tpu.memory_space<vmem>> -> memref<200x128xf32, #tpu.memory_space<vmem>>
    tpu.wait_dma2 semaphore(%arg16 : memref<!tpu.dma_semaphore, #tpu.memory_space<semaphore_mem>>) src(%dma_wait3A_151 : memref<200x128xf32, #tpu.memory_space<vmem>>) dst(%dma_wait3A_150 : memref<200x128xf32, #tpu.memory_space<hbm>>)
    %dma_wait3A_152 = tpu.memref_bitcast %arg9 : memref<200x128xi32, #tpu.memory_space<vmem>> -> memref<200x128xf32, #tpu.memory_space<vmem>>
    %dma_wait3A_153 = arith.constant 0 : i32
    %dma_wait3A_154 = tpu.memref_slice %arg4[%dma_wait3A_153, %add3A_120] : memref<200x16384xf32, #tpu.memory_space<hbm>> -> memref<200x128xf32, #tpu.memory_space<hbm>>
    %dma_wait3A_155 = arith.constant 0 : i32
    %dma_wait3A_156 = tpu.memref_slice %arg4[%dma_wait3A_155, %add3A_120] : memref<200x16384xf32, #tpu.memory_space<hbm>> -> memref<200x128xf32, #tpu.memory_space<hbm>>
    %dma_wait3A_157 = tpu.memref_bitcast %arg9 : memref<200x128xi32, #tpu.memory_space<vmem>> -> memref<200x128xf32, #tpu.memory_space<vmem>>
    tpu.wait_dma2 semaphore(%arg17 : memref<!tpu.dma_semaphore, #tpu.memory_space<semaphore_mem>>) src(%dma_wait3A_157 : memref<200x128xf32, #tpu.memory_space<vmem>>) dst(%dma_wait3A_156 : memref<200x128xf32, #tpu.memory_space<hbm>>)
    %dma_wait3A_158 = tpu.memref_bitcast %arg7 : memref<200x128xi32, #tpu.memory_space<vmem>> -> memref<200x128xf32, #tpu.memory_space<vmem>>
    %dma_wait3A_159 = arith.constant 0 : i32
    %dma_wait3A_160 = tpu.memref_slice %arg4[%dma_wait3A_159, %add3A_139] : memref<200x16384xf32, #tpu.memory_space<hbm>> -> memref<200x128xf32, #tpu.memory_space<hbm>>
    %dma_wait3A_161 = arith.constant 0 : i32
    %dma_wait3A_162 = tpu.memref_slice %arg4[%dma_wait3A_161, %add3A_139] : memref<200x16384xf32, #tpu.memory_space<hbm>> -> memref<200x128xf32, #tpu.memory_space<hbm>>
    %dma_wait3A_163 = tpu.memref_bitcast %arg7 : memref<200x128xi32, #tpu.memory_space<vmem>> -> memref<200x128xf32, #tpu.memory_space<vmem>>
    tpu.wait_dma2 semaphore(%arg15 : memref<!tpu.dma_semaphore, #tpu.memory_space<semaphore_mem>>) src(%dma_wait3A_163 : memref<200x128xf32, #tpu.memory_space<vmem>>) dst(%dma_wait3A_162 : memref<200x128xf32, #tpu.memory_space<hbm>>)
    return
  }
}

</mosaic_0001>

<sc_bundles>
// kernel: _gather_sc.3.cloned.1.call-start
scs
__scs_entry_jumppad:
0x0: {  	(pc) =	sbr.rel $0x88, $3  }
0x1: {  	(tag) =	ssettag $0x0;
	lr =	simm.s32 $0x1  }
0x2: {  	[smem:$0x3F9F] =	sst lr;
	_ =	strace $0xD0000000  }
0x3: {  	_ = 	snop  }
0x4: {  	_ = 	snop  }
0x5: {  	_ = 	snop  }
0x6: {  	_ = 	snop  }
0x7: {  	_ = 	snop  }
__scs_overlays_trampoline_lowered:
0x8: {  	[smem:$0x3FAE] =	sst s0  }
0x9: {  	[smem:$0x3FAF] =	sst s1  }
0xa: {  	[smem:$0x3FB0] =	sst s2  }
0xb: {  	[smem:$0x3FB1] =	sst s3  }
0xc: {  	[smem:$0x3FB2] =	sst s4  }
0xd: {  	[smem:$0x3FB3] =	sst s5  }
0xe: {  	[smem:$0x3FB4] =	sst s6  }
0xf: {  	[smem:$0x3FB5] =	sst s7  }
0x10: {  	[smem:$0x3FB6] =	sst s8  }
0x11: {  	[smem:$0x3FB7] =	sst s9;
	s0 =	simm.s32 @!p0 $0x0  }
0x12: {  	s1 =	sld [smem:$0x3F9D];
	s0 =	simm.s32 @p0 $0x1  }
0x13: {  	[smem:$0x3FB8] =	sst s0;
	s0 =	simm.s32 @!p1 $0x0  }
0x14: {  	s2 =	sld [smem:$0x3F9C];
	s0 =	simm.s32 @p1 $0x1  }
0x15: {  	[smem:$0x3FB9] =	sst s0;
	s0 =	simm.s32 @!p2 $0x0  }
0x16: {  	s3 =	sld [smem:$0x3FDB];
	s0 =	simm.s32 @p2 $0x1  }
0x17: {  	s4 =	simm.s32 $0x1BF5;
	[smem:$0x3FBB] =	sst s0  }
0x18: {  	s0 =	sld [smem:$0x3F9E];
	_ =	swait.ge [sflag:s4], $0x0  }
0x19: {  	s7 =	sld [smem:$0x3F9F]  }
0x1a: {  	s8 =	sadd.s32 $0xFFFFE003, lr  }
0x1b: {  	s9 =	sadd.s32 $0xFFFFFEF7, lr;
	s5 =	simm.s32 $0xFFFFFFFF;
	p2 =	slt.u32 s8, $0xFFFFF086  }
0x1c: {  	p1 =	slt.u32 s9, $0xF7A;
	s5 =	simm.s32 @!p2 $0x0  }
0x1d: {  	s5 =	simm.s32 @p1 $0x1;
	p0 =	seq.s32 s7, s2  }
0x1e: {  	s7 =	smul.u32 @!p0 $0xF7A, s2;
	p2 =	seq.s32 @!p0 s5, $0x0  }
0x1f: {  	s9 =	smul.u32 $0xF7A, s1;
	s8 =	simm.s32 @!p0 $0x1BF5;
	p2 =	por !p2, p0  }
0x20: {  	[sflag:s8] =	ssyncset.s32 @!p0 $0xFFFFF086;
	s6 =	sadd.s32 @!p0 s3, s7;
	s7 =	simm.s32 @!p0 $0x108  }
0x21: {  	s3 =	sadd.s32 s3, s9;
	s6 =	sadd.s32 @!p0 $0x88, s6;
	s7 =	simm.s32 @p2 $0x1082  }
0x22: {  	[simem:s7], [sflag:s8] =	dma.local @!p0 [hbm:s6], $0xF7A  }
0x23: {  	s9 =	sor.u32 $0xD0000000, s2;
	s6 =	simm.s32 $0x108;
	_ =	swait.ge @!p0 [sflag:s8], $0x0  }
0x24: {  	s3 =	sadd.s32 $0x88, s3;
	s6 =	simm.s32 @!p1 $0x1082;
	[sflag:s4] =	ssyncset.s32 $0xFFFFF086  }
0x25: {  	[simem:s6], [sflag:s4] =	dma.local [hbm:s3], $0xF7A  }
0x26: {  	[smem:$0x3F9F] =	sst s1;
	(tag) =	ssettag s2;
	_ =	strace s9  }
0x27: {  	s1 =	sld [smem:$0x3FAF]  }
0x28: {  	s2 =	sld [smem:$0x3FB0]  }
0x29: {  	s4 =	sld [smem:$0x3FB2]  }
0x2a: {  	p0 =	seq.s32 s5, $0x0;
	s5 =	sld [smem:$0x3FB3]  }
0x2b: {  	s6 =	sld [smem:$0x3FB4]  }
0x2c: {  	s7 =	sld [smem:$0x3FB5]  }
0x2d: {  	s3 =	simm.s32 $0x108;
	s8 =	sld [smem:$0x3FB6]  }
0x2e: {  	s3 =	simm.s32 @!p0 $0x1082;
	s9 =	sld [smem:$0x3FB7]  }
0x2f: {  	lr =	sadd.s32 s0, s3;
	s0 =	sld [smem:$0x3FAE]  }
0x30: {  	s3 =	sld [smem:$0x3FB1]  }
0x31: {  	[smem:$0x3FBA] =	sst s10  }
0x32: {  	s10 =	sld [smem:$0x3FB8];
	_ =	sdelay $0x3  }
0x33: {  	p0 =	seq.s32 s10, $0x1;
	s10 =	sld [smem:$0x3FBA];
	_ =	sdelay $0x3  }
0x34: {  	[smem:$0x3FBA] =	sst s10  }
0x35: {  	s10 =	sld [smem:$0x3FB9];
	_ =	sdelay $0x3  }
0x36: {  	p1 =	seq.s32 s10, $0x1;
	s10 =	sld [smem:$0x3FBA];
	_ =	sdelay $0x3  }
0x37: {  	[smem:$0x3FBA] =	sst s10  }
0x38: {  	s10 =	sld [smem:$0x3FBB]  }
0x39: {  	_ = 	snop;
	(pc) =	sbr.ind lr, $3  }
0x3a: {  	_ = 	snop  }
0x3b: {  	_ = 	snop  }
0x3c: {  	p2 =	seq.s32 s10, $0x1;
	s10 =	sld [smem:$0x3FBA]  }
0x3d: {  	_ =	shalt  }
0x3e: {  	_ =	shalt  }
0x3f: {  	_ =	shalt  }
0x40: {  	_ =	shalt  }
0x41: {  	_ =	shalt  }
0x42: {  	_ =	shalt  }
0x43: {  	_ =	shalt  }
0x44: {  	_ =	shalt  }
0x45: {  	_ =	shalt  }
0x46: {  	_ =	shalt  }
0x47: {  	_ =	shalt  }
0x48: {  	_ =	shalt  }
0x49: {  	_ =	shalt  }
0x4a: {  	_ =	shalt  }
0x4b: {  	_ =	shalt  }
0x4c: {  	_ =	shalt  }
0x4d: {  	_ =	shalt  }
0x4e: {  	_ =	shalt  }
0x4f: {  	_ =	shalt  }
0x50: {  	_ =	shalt  }
0x51: {  	_ =	shalt  }
0x52: {  	_ =	shalt  }
0x53: {  	_ =	shalt  }
0x54: {  	_ =	shalt  }
0x55: {  	_ =	shalt  }
0x56: {  	_ =	shalt  }
0x57: {  	_ =	shalt  }
0x58: {  	_ =	shalt  }
0x59: {  	_ =	shalt  }
0x5a: {  	_ =	shalt  }
0x5b: {  	_ =	shalt  }
0x5c: {  	_ =	shalt  }
0x5d: {  	_ =	shalt  }
0x5e: {  	_ =	shalt  }
0x5f: {  	_ =	shalt  }
0x60: {  	_ =	shalt  }
0x61: {  	_ =	shalt  }
0x62: {  	_ =	shalt  }
0x63: {  	_ =	shalt  }
0x64: {  	_ =	shalt  }
0x65: {  	_ =	shalt  }
0x66: {  	_ =	shalt  }
0x67: {  	_ =	shalt  }
0x68: {  	_ =	shalt  }
0x69: {  	_ =	shalt  }
0x6a: {  	_ =	shalt  }
0x6b: {  	_ =	shalt  }
0x6c: {  	_ =	shalt  }
0x6d: {  	_ =	shalt  }
0x6e: {  	_ =	shalt  }
0x6f: {  	_ =	shalt  }
0x70: {  	_ =	shalt  }
0x71: {  	_ =	shalt  }
0x72: {  	_ =	shalt  }
0x73: {  	_ =	shalt  }
0x74: {  	_ =	shalt  }
0x75: {  	_ =	shalt  }
0x76: {  	_ =	shalt  }
0x77: {  	_ =	shalt  }
0x78: {  	_ =	shalt  }
0x79: {  	_ =	shalt  }
0x7a: {  	_ =	shalt  }
0x7b: {  	_ =	shalt  }
0x7c: {  	_ =	shalt  }
0x7d: {  	_ =	shalt  }
0x7e: {  	_ =	shalt  }
0x7f: {  	_ =	shalt  }
0x80: {  	_ =	shalt  }
0x81: {  	_ =	shalt  }
0x82: {  	_ =	shalt  }
0x83: {  	_ =	shalt  }
0x84: {  	_ =	shalt  }
0x85: {  	_ =	shalt  }
0x86: {  	_ =	shalt  }
0x87: {  	_ =	shalt  }
.Lfunc_end0:
.L_simem_size_0:
called_computation_lowered:
.L_overlay_start_0:
0x88: {  	s2 =	sld [smem:$0x3FD9]  }
0x89: {  	s3 =	sld [smem:$0x3FFE];
	_ =	sdelay $0x1  }
0x8a: {  	s1 =	srdreg.scid  }
0x8b: {  	s0 =	sand.u32 $0x1, s1  }
0x8c: {  	s18 =	sshll.u32 s0, $0xA;
	s2 =	sadd.s32 s3, s2  }
0x8d: {  	s2 =	sadd.s32 s2, s18  }
0x8e: {  	[smem:$0x3FC6] =	sst s2  }
0x8f: {  	_ = 	snop  }
0x90: {  	s2 =	sld [smem:$0x3FC9]  }
0x91: {  	s19 =	sld [smem:$0x3FC8]  }
0x92: {  	s4 =	sld [smem:$0x3FD0];
	(tm) =	ssettm $0x1  }
0x93: {  	s5 =	sld [smem:$0x3FFB];
	_ =	sdelay $0x3  }
0x94: {  	_ =	strace s5  }
0x95: {  	s5 =	sld [smem:$0x3FFC];
	_ =	sdelay $0x3  }
0x96: {  	_ =	strace s5  }
0x97: {  	s5 =	sld [smem:$0x3FFD];
	_ =	sdelay $0x3  }
0x98: {  	_ =	strace s5  }
0x99: {  	_ =	strace $0x8FFFFFFF  }
0x9a: {  	s20 =	sld [smem:$0x3FDB];
	_ =	sdelay $0x1  }
0x9b: {  	s6 =	simm.s32 $_scs_section_size  }
0x9c: {  	s7 =	simm.s32 $_size__tile_overlayer_lowered;
	s8 =	simm.s32 $_tile_overlayer_lowered  }
0x9d: {  	s23 =	simm.s32 $0x1BFF;
	s22 =	sshll.u32 s8, $0x1;
	s5 =	sadd.s32 s6, s20  }
0x9e: {  	s9 =	simm.s32 $0x0;
	s21 =	sshll.u32 s7, $0x1;
	s7 =	sadd.s32 s22, s5  }
0x9f: {  	[timem:s9], [sflag:s23] =	dma.local [hbm:s7], s21  }
0xa0: {  	_ =	swait.ge [sflag:s23], s21  }
0xa1: {  	s6 =	ssub.s32 $0x0, s21;
	[sflag:s23] =	ssyncset.done $0x0  }
0xa2: {  	[sflag:s23] =	ssyncadd.s32 s6;
	_ =	sdelay $0x1  }
0xa3: {  	s24 =	simm.s32 $0x1B8B  }
0xa4: {  	_ =	swait.ge [sflag:s24], $0x1  }
0xa5: {  	[sflag:s24] =	ssyncset.done $0x0  }
0xa6: {  	s25 =	simm.s32 $0x1B8E;
	[sflag:s24] =	ssyncadd.s32 $0xFFFFFFFF  }
0xa7: {  	s26 =	simm.s32 $execute0_lowered;
	[smem:$0x3FD2] =	sst s25  }
0xa8: {  	s6 =	sshll.u32 s26, $0x1;
	_ =	strace $0x80000046;
	[dreg:$0x1] =	wrdreg $0xFFFFFFFF  }
0xa9: {  	s28 =	simm.s32 $_size_execute0_lowered;
	s5 =	sadd.s32 s5, s6;
	[dreg:$0x0] =	wrdreg $0x0  }
0xaa: {  	s6 =	sshll.u32 s28, $0x1;
	[dreg:$0x2] =	wrdreg s5  }
0xab: {  	[dreg:$0x3] =	wrdreg s6  }
0xac: {  	[dreg:$0x4] =	wrdreg $0xC0  }
0xad: {  	_ =	task [dreg:s9], $0x5FFFF  }
0xae: {  	[dreg:$0x1] =	wrdreg $0xFFFFFFFF  }
0xaf: {  	[dreg:$0x0] =	wrdreg $0x60  }
0xb0: {  	[dreg:$0x2] =	wrdreg s2  }
0xb1: {  	[dreg:$0x3] =	wrdreg s19  }
0xb2: {  	[dreg:$0x4] =	wrdreg s4  }
0xb3: {  	[dreg:$0x5] =	wrdreg $0x9  }
0xb4: {  	_ =	task.clear_ibuf [dreg:s9], $0x6FFFF;
	_ =	strace $0x90000046  }
0xb5: {  	s29 =	simm.s32 $0x9;
	_ =	strace $0x80000048  }
0xb6: {  	_ =	swait.ge [sflag:s29], $0x1  }
0xb7: {  	[sflag:s29] =	ssyncadd.s32 $0xFFFFFFFF  }
0xb8: {  	_ =	strace $0x90000048  }
0xb9: {  	_ =	sfence  }
0xba: {  	s30 =	sld [smem:$0x0];
	_ =	sdelay $0x2  }
0xbb: {  	s31 =	sshll.u32 s1, $0xD;
	s1 =	sshrl.u32 s1, $0x2  }
0xbc: {  	s3 =	sand.u32 $0x4000, s31;
	s1 =	sadd.s32 s1, s30  }
0xbd: {  	s0 =	sor.u32 s3, s0;
	s1 =	sshll.u32 s1, $0x11  }
0xbe: {  	s0 =	sor.u32 s1, s0  }
0xbf: {  	s0 =	sadd.s32 $0x8F2B, s0  }
0xc0: {  	[sflag:s0] =	ssyncadd.remote.s32 $0x1  }
0xc1: {  	_ =	sfence.sel $0xFFFF  }
0xc2: {  	[dreg:$0x0] =	wrdreg $0xFFFFFFFF;
	(pc) =	sbr.abs _section_cstart, $3  }
0xc3: {  	[dreg:$0x1] =	wrdreg $0xFFFFFFFF  }
0xc4: {  	_ =	task.clear_ibuf [dreg:s9], $0x2FFFF;
	_ =	strace $0x9FFFFFFF  }
0xc5: {  	(tm) =	ssettm $0x7FFFFFFF  }
tec
execute0_lowered:
.L_overlay_start_1:
0x0: {  	(tag) =	ssettag $0x1  }
0x1: {  	s0 =	rddreg [dreg:$0x0]  }
0x2: {  	s1 =	rddreg [dreg:$0x1]  }
0x3: {  	s3 =	rddreg [dreg:$0x2]  }
0x4: {  	s4 =	srdreg.scid;
	s2 =	simm.s32 $0x0;
	s6 =	stileid.u32  }
0x5: {  	s16 =	simm.s32 $0x400;
	s17 =	simm.s32 $0x20000;
	s18 =	simm.s32 $0xC800  }
0x6: {  	s19 =	simm.s32 $0x6400;
	s21 =	simm.s32 $0x1;
	s22 =	simm.s32 $0x3  }
0x7: {  	s24 =	simm.s32 $0x2;
	s25 =	simm.s32 $0x4;
	s26 =	simm.s32 $0x6  }
0x8: {  	s28 =	simm.s32 $0x5;
	s29 =	simm.s32 $0x7;
	s30 =	simm.s32 $0x8  }
0x9: {  	s31 =	simm.s32 $0x0;
	s4 =	sand.u32 $0x1, s4;
	s6 =	sshll.u32 s6, $0xA  }
0xa: {  	[smem:$0x7FF] =	sst s2;
	s5 =	ssub.s32 $0x2, s4;
	s4 =	sshll.u32 s4, $0x9  }
0xb: {  	_ =	strace $0x80000047;
	s7 =	sshrl.u32 s5, $0x1;
	s10 =	sor.u32 s4, s6  }
0xc: {  	s15 =	ssub.s32 s5, s7;
	s11 =	sor.u32 $0x80, s10;
	s4 =	sadd.s32 s0, s10  }
0xd: {  	s7 =	sadd.s32 s3, s10;
	s13 =	sor.u32 $0x100, s10;
	s14 =	sor.u32 $0x180, s10  }
0xe: {  	v0 =	vlaneseq.u32;
	[dreg:$0x4] =	wrdreg s4;
	s4 =	sadd.s32 s1, s10;
	s5 =	sadd.s32 s0, s11  }
0xf: {  	v1 =	vor.u32 $0x10, v0;
	s6 =	sadd.s32 s1, s11;
	s8 =	sadd.s32 s0, s13;
	s9 =	sadd.s32 s1, s13  }
0x10: {  	v2 =	vor.u32 $0x20, v0;
	v3 =	vor.u32 $0x30, v0;
	v4 =	vor.u32 $0x40, v0;
	s10 =	sadd.s32 s3, s11;
	s11 =	sadd.s32 s0, s14;
	s12 =	sadd.s32 s1, s14  }
0x11: {  	v5 =	vor.u32 $0x50, v0;
	v6 =	vor.u32 $0x60, v0;
	v7 =	vor.u32 $0x70, v0;
	s13 =	sadd.s32 s3, s13;
	s14 =	sadd.s32 s3, s14;
	s15 =	smax.u32 s15, $0x1  }
.LBB2_1:
0x12: {  	s0 =	rddreg [dreg:$0x4]  }
0x13: {  	[tilespmem:s2], [sflag:$0x1] =	stream.strided.gather [hbm4b:s0+s16], $0x6400, s17, s16, $0x38;
	[tilespmem:$0x1F400] =	vst v63  }
0x14: {  	_ = 	snop  }
0x15: {  	[tilespmem:s18], [sflag:$0x3] =	stream.strided.gather [hbm4b:s4+s16], $0x6400, s17, s16, $0x38;
	[tilespmem:$0x1F400] =	vst v63  }
0x16: {  	_ = 	snop  }
0x17: {  	[tilespmem:s19], [sflag:$0x2] =	stream.strided.gather [hbm4b:s5+s16], $0x6400, s17, s16, $0x38;
	[tilespmem:$0x1F400] =	vst v63  }
0x18: {  	s23 =	simm.s32 $0x12C00  }
0x19: {  	[tilespmem:s23], [sflag:$0x4] =	stream.strided.gather [hbm4b:s6+s16], $0x6400, s17, s16, $0x38;
	[tilespmem:$0x1F400] =	vst v63  }
0x1a: {  	_ =	swait.ge [sflag:s21], $0x6400  }
0x1b: {  	[sflag:s21] =	ssyncset.done $0x0  }
0x1c: {  	[sflag:s21] =	ssyncadd.s32 $0xFFFF9C00  }
0x1d: {  	_ =	swait.ge [sflag:s22], $0x6400  }
0x1e: {  	[sflag:s22] =	ssyncset.done $0x0  }
0x1f: {  	s0 =	simm.s32 $0xC880;
	[sflag:s22] =	ssyncadd.s32 $0xFFFF9C00  }
0x20: {  	v8 =	vld [tilespmem:s0+$0x0];
	_ =	sdelay $0x4  }
0x21: {  	v9 =	vld [tilespmem:s0+$0xFFFFFF80];
	v8 =	vshll.u32 v8, $0x7  }
0x22: {  	v10 =	vld [tilespmem:s0+$0x10];
	v8 =	vor.u32 v0, v8;
	_ =	sdelay $0x3  }
0x23: {  	v11 =	vld [tilespmem:s0+$0xFFFFFF90];
	v9 =	vshll.u32 v9, $0x7  }
0x24: {  	v10 =	vshll.u32 v10, $0x7;
	v9 =	vor.u32 v0, v9;
	v8 =	vld.idx.msk [tilespmem:v8+s2+$0x0], $0xffff  }
0x25: {  	v12 =	vld [tilespmem:s0+$0x20];
	v10 =	vor.u32 v1, v10  }
0x26: {  	v13 =	vld [tilespmem:s0+$0xFFFFFFA0]  }
0x27: {  	v14 =	vld [tilespmem:s0+$0xFFFFFFB0]  }
0x28: {  	v15 =	vld [tilespmem:s0+$0xFFFFFFC0]  }
0x29: {  	v11 =	vshll.u32 v11, $0x7;
	v9 =	vld.idx.msk [tilespmem:v9+s2+$0x0], $0xffff;
	[tilespmem:s0+$0x0] =	vst v8  }
0x2a: {  	v11 =	vor.u32 v1, v11;
	v8 =	vld.idx.msk [tilespmem:v10+s2+$0x0], $0xffff;
	v10 =	vshll.u32 v12, $0x7  }
0x2b: {  	v12 =	vld [tilespmem:s0+$0x30];
	v10 =	vor.u32 v2, v10  }
0x2c: {  	v16 =	vld [tilespmem:s0+$0xFFFFFFD0]  }
0x2d: {  	s1 =	simm.s32 $0xC980;
	v17 =	vld [tilespmem:s0+$0x40]  }
0x2e: {  	v18 =	vld [tilespmem:s1+$0xFFFFFF90];
	[tilespmem:s0+$0xFFFFFF80] =	vst v9  }
0x2f: {  	v9 =	vshll.u32 v13, $0x7;
	v11 =	vld.idx.msk [tilespmem:v11+s2+$0x0], $0xffff;
	[tilespmem:s0+$0x10] =	vst v8  }
0x30: {  	v9 =	vor.u32 v2, v9;
	v12 =	vshll.u32 v12, $0x7;
	v10 =	vld.idx.msk [tilespmem:v10+s2+$0x0], $0xffff  }
0x31: {  	v19 =	vld [tilespmem:s0+$0x50];
	v12 =	vor.u32 v3, v12  }
0x32: {  	v20 =	vld [tilespmem:s1+$0xFFFFFFA0]  }
0x33: {  	v21 =	vld [tilespmem:s1+$0xFFFFFFB0]  }
0x34: {  	[tilespmem:s0+$0xFFFFFF90] =	vst v11;
	v11 =	vld [tilespmem:s1+$0x0]  }
0x35: {  	v9 =	vld.idx.msk [tilespmem:v9+s2+$0x0], $0xffff;
	[tilespmem:s0+$0x20] =	vst v10  }
0x36: {  	v10 =	vld.idx.msk [tilespmem:v12+s2+$0x0], $0xffff  }
0x37: {  	v12 =	vld [tilespmem:s1+$0xFFFFFF80]  }
0x38: {  	v22 =	vld [tilespmem:s1+$0x10];
	v14 =	vshll.u32 v14, $0x7  }
0x39: {  	s20 =	simm.s32 $0xCA80;
	v23 =	vld [tilespmem:s1+$0x20];
	v17 =	vshll.u32 v17, $0x7;
	v14 =	vor.u32 v3, v14  }
0x3a: {  	v24 =	vld [tilespmem:s20+$0xFFFFFFB0];
	v17 =	vor.u32 v4, v17;
	v11 =	vshll.u32 v11, $0x7  }
0x3b: {  	v25 =	vld [tilespmem:s20+$0x10];
	v11 =	vor.u32 v0, v11  }
0x3c: {  	v63 =	vld [tilespmem:s20+$0x30];
	[tilespmem:s0+$0xFFFFFFA0] =	vst v9;
	v12 =	vshll.u32 v12, $0x7  }
0x3d: {  	v13 =	vld [tilespmem:s0+$0xFFFFFFE0];
	[tilespmem:s0+$0x30] =	vst v10;
	v10 =	vor.u32 v0, v12  }
0x3e: {  	v14 =	vld.idx.msk [tilespmem:v14+s2+$0x0], $0xffff  }
0x3f: {  	v15 =	vshll.u32 v15, $0x7;
	v12 =	vld.idx.msk [tilespmem:v17+s2+$0x0], $0xffff  }
0x40: {  	v15 =	vor.u32 v4, v15;
	v11 =	vld.idx.msk [tilespmem:v11+s2+$0x0], $0xffff;
	v17 =	vshll.u32 v19, $0x7  }
0x41: {  	v22 =	vshll.u32 v22, $0x7;
	v19 =	vld [tilespmem:s0+$0x60];
	v17 =	vor.u32 v5, v17  }
0x42: {  	v22 =	vor.u32 v1, v22;
	v10 =	vld.idx.msk [tilespmem:v10+s2+$0x0], $0xffff  }
0x43: {  	v18 =	vshll.u32 v18, $0x7;
	v8 =	vld [tilespmem:s0+$0xFFFFFFF0];
	[tilespmem:s0+$0xFFFFFFB0] =	vst v14  }
0x44: {  	v9 =	vld [tilespmem:s1+$0xFFFFFFC0];
	[tilespmem:s0+$0x40] =	vst v12;
	v12 =	vor.u32 v1, v18  }
0x45: {  	v15 =	vld.idx.msk [tilespmem:v15+s2+$0x0], $0xffff  }
0x46: {  	[tilespmem:s1+$0x0] =	vst v11;
	v17 =	vld.idx.msk [tilespmem:v17+s2+$0x0], $0xffff  }
0x47: {  	v14 =	vshll.u32 v19, $0x7;
	[tilespmem:s1+$0xFFFFFF80] =	vst v10;
	v10 =	vld.idx.msk [tilespmem:v22+s2+$0x0], $0xffff  }
0x48: {  	v19 =	vshll.u32 v23, $0x7;
	v14 =	vor.u32 v6, v14;
	v22 =	vld [tilespmem:s1+$0x30]  }
0x49: {  	v16 =	vshll.u32 v16, $0x7;
	v19 =	vor.u32 v2, v19;
	v12 =	vld.idx.msk [tilespmem:v12+s2+$0x0], $0xffff  }
0x4a: {  	v16 =	vor.u32 v5, v16;
	v11 =	vld [tilespmem:s0+$0x70]  }
0x4b: {  	v18 =	vld [tilespmem:s1+$0xFFFFFFD0];
	[tilespmem:s0+$0xFFFFFFC0] =	vst v15  }
0x4c: {  	v20 =	vshll.u32 v20, $0x7;
	v23 =	vld [tilespmem:s20+$0xFFFFFFA0];
	[tilespmem:s0+$0x50] =	vst v17  }
0x4d: {  	v17 =	vor.u32 v2, v20;
	v14 =	vld.idx.msk [tilespmem:v14+s2+$0x0], $0xffff;
	[tilespmem:s1+$0x10] =	vst v10  }
0x4e: {  	[tilespmem:s1+$0xFFFFFF90] =	vst v12;
	v10 =	vld.idx.msk [tilespmem:v19+s2+$0x0], $0xffff;
	v12 =	vshll.u32 v22, $0x7  }
0x4f: {  	v15 =	vld.idx.msk [tilespmem:v16+s2+$0x0], $0xffff;
	v12 =	vor.u32 v3, v12  }
0x50: {  	v16 =	vld [tilespmem:s1+$0xFFFFFFF0]  }
0x51: {  	v13 =	vshll.u32 v13, $0x7;
	v19 =	vld [tilespmem:s1+$0x40]  }
0x52: {  	v13 =	vor.u32 v6, v13;
	v17 =	vld.idx.msk [tilespmem:v17+s2+$0x0], $0xffff;
	[tilespmem:s0+$0x60] =	vst v14  }
0x53: {  	v11 =	vshll.u32 v11, $0x7;
	v14 =	vld [tilespmem:s20+$0x0];
	[tilespmem:s1+$0x20] =	vst v10  }
0x54: {  	v11 =	vor.u32 v7, v11;
	v10 =	vld.idx.msk [tilespmem:v12+s2+$0x0], $0xffff  }
0x55: {  	v21 =	vshll.u32 v21, $0x7;
	v12 =	vld [tilespmem:s20+$0xFFFFFF80]  }
0x56: {  	v21 =	vor.u32 v3, v21;
	v20 =	vld [tilespmem:s1+$0xFFFFFFE0];
	[tilespmem:s0+$0xFFFFFFD0] =	vst v15;
	v15 =	vshll.u32 v19, $0x7  }
0x57: {  	v13 =	vld.idx.msk [tilespmem:v13+s2+$0x0], $0xffff;
	v15 =	vor.u32 v4, v15  }
0x58: {  	v22 =	vld [tilespmem:s1+$0x50]  }
0x59: {  	v11 =	vld.idx.msk [tilespmem:v11+s2+$0x0], $0xffff;
	v14 =	vshll.u32 v14, $0x7  }
0x5a: {  	v19 =	vld [tilespmem:s20+$0xFFFFFF90];
	[tilespmem:s1+$0xFFFFFFA0] =	vst v17;
	v14 =	vor.u32 v0, v14;
	v12 =	vshll.u32 v12, $0x7  }
0x5b: {  	v21 =	vld.idx.msk [tilespmem:v21+s2+$0x0], $0xffff;
	[tilespmem:s1+$0x30] =	vst v10;
	v10 =	vor.u32 v0, v12  }
0x5c: {  	v9 =	vshll.u32 v9, $0x7;
	v12 =	vld.idx.msk [tilespmem:v15+s2+$0x0], $0xffff  }
0x5d: {  	v9 =	vor.u32 v4, v9;
	v17 =	vshll.u32 v22, $0x7;
	v22 =	vld [tilespmem:s1+$0x60]  }
0x5e: {  	v15 =	vld [tilespmem:s20+$0xFFFFFFC0]  }
0x5f: {  	v17 =	vor.u32 v5, v17;
	v14 =	vld.idx.msk [tilespmem:v14+s2+$0x0], $0xffff  }
0x60: {  	v25 =	vshll.u32 v25, $0x7;
	[tilespmem:s1+$0xFFFFFFB0] =	vst v21;
	v10 =	vld.idx.msk [tilespmem:v10+s2+$0x0], $0xffff  }
0x61: {  	v25 =	vor.u32 v1, v25;
	[tilespmem:s1+$0x40] =	vst v12;
	v12 =	vld [tilespmem:s20+$0x20]  }
0x62: {  	v19 =	vshll.u32 v19, $0x7;
	v9 =	vld.idx.msk [tilespmem:v9+s2+$0x0], $0xffff  }
0x63: {  	v19 =	vor.u32 v1, v19;
	v21 =	vld [tilespmem:s20+$0xFFFFFFD0]  }
0x64: {  	v22 =	vshll.u32 v22, $0x7;
	v17 =	vld.idx.msk [tilespmem:v17+s2+$0x0], $0xffff  }
0x65: {  	v18 =	vshll.u32 v18, $0x7;
	v22 =	vor.u32 v6, v22;
	[tilespmem:s20+$0x0] =	vst v14;
	v14 =	vld [tilespmem:s1+$0x70]  }
0x66: {  	[tilespmem:s20+$0xFFFFFF80] =	vst v10;
	v10 =	vor.u32 v5, v18;
	v18 =	vld.idx.msk [tilespmem:v25+s2+$0x0], $0xffff;
	v12 =	vshll.u32 v12, $0x7  }
0x67: {  	[tilespmem:s1+$0xFFFFFFC0] =	vst v9;
	v9 =	vld [tilespmem:s20+$0xFFFFFFE0];
	v12 =	vor.u32 v2, v12  }
0x68: {  	v8 =	vshll.u32 v8, $0x7;
	v23 =	vshll.u32 v23, $0x7;
	v19 =	vld.idx.msk [tilespmem:v19+s2+$0x0], $0xffff  }
0x69: {  	[tilespmem:s1+$0x50] =	vst v17;
	v17 =	vor.u32 v2, v23;
	v23 =	vor.u32 v7, v8;
	v8 =	vshll.u32 v20, $0x7;
	v20 =	vld [tilespmem:s20+$0xFFFFFFF0]  }
0x6a: {  	[tilespmem:s0+$0x70] =	vst v11;
	v14 =	vshll.u32 v14, $0x7;
	v22 =	vld.idx.msk [tilespmem:v22+s2+$0x0], $0xffff  }
0x6b: {  	v14 =	vor.u32 v7, v14;
	v11 =	vld.idx.msk [tilespmem:v10+s2+$0x0], $0xffff;
	[tilespmem:s20+$0x10] =	vst v18  }
0x6c: {  	v26 =	vor.u32 v6, v8;
	v8 =	vshll.u32 v16, $0x7;
	v18 =	vld.idx.msk [tilespmem:v12+s2+$0x0], $0xffff  }
0x6d: {  	v16 =	vshll.u32 v63, $0x7;
	v10 =	vshll.u32 v24, $0x7;
	[tilespmem:s20+$0xFFFFFF90] =	vst v19;
	v12 =	vshll.u32 v15, $0x7;
	v19 =	vld [tilespmem:s20+$0x40]  }
0x6e: {  	[tilespmem:s0+$0xFFFFFFE0] =	vst v13;
	v15 =	vshll.u32 v21, $0x7;
	v21 =	vshll.u32 v20, $0x7;
	v20 =	vor.u32 v3, v16;
	v17 =	vld.idx.msk [tilespmem:v17+s2+$0x0], $0xffff  }
0x6f: {  	v13 =	vor.u32 v3, v10;
	[tilespmem:s1+$0x60] =	vst v22;
	v10 =	vor.u32 v5, v15;
	v15 =	vld.idx.msk [tilespmem:v23+s2+$0x0], $0xffff  }
0x70: {  	v9 =	vshll.u32 v9, $0x7;
	v8 =	vor.u32 v7, v8;
	v14 =	vld.idx.msk [tilespmem:v14+s2+$0x0], $0xffff;
	[tilespmem:s1+$0xFFFFFFD0] =	vst v11  }
0x71: {  	s3 =	simm.s32 $0xCB80;
	s23 =	simm.s32 $0x4;
	v12 =	vor.u32 v4, v12;
	v11 =	vor.u32 v6, v9;
	v9 =	vor.u32 v7, v21;
	v16 =	vld.idx.msk [tilespmem:v26+s2+$0x0], $0xffff  }
.LBB2_2:
0x72: {  	v21 =	vld [tilespmem:s3+$0x0];
	[tilespmem:s20+$0x20] =	vst v18  }
0x73: {  	s23 =	sadd.s32 $0x2, s23;
	[tilespmem:s20+$0xFFFFFFA0] =	vst v17;
	v17 =	vld.idx.msk [tilespmem:v20+s2+$0x0], $0xffff  }
0x74: {  	p0 =	slt.u32 s23, $0xC6;
	v19 =	vshll.u32 v19, $0x7;
	v18 =	vld [tilespmem:s3+$0xFFFFFF80]  }
0x75: {  	v19 =	vor.u32 v4, v19;
	v20 =	vld [tilespmem:s3+$0xFFFFFF90];
	[tilespmem:s1+$0x70] =	vst v14  }
0x76: {  	v14 =	vld [tilespmem:s20+$0x50];
	[tilespmem:s0+$0xFFFFFFF0] =	vst v15;
	s0 =	smov.u32 s1;
	s1 =	smov.u32 s20;
	s20 =	smov.u32 s3  }
0x77: {  	v15 =	vld [tilespmem:s3+$0xFFFFFFA0];
	[tilespmem:s0+$0xFFFFFFE0] =	vst v16  }
0x78: {  	v21 =	vshll.u32 v21, $0x7;
	v16 =	vld [tilespmem:s3+$0xFFFFFFB0]  }
0x79: {  	v21 =	vor.u32 v0, v21;
	v18 =	vshll.u32 v18, $0x7;
	v22 =	vld [tilespmem:s3+$0x10];
	[tilespmem:s1+$0x30] =	vst v17  }
0x7a: {  	v17 =	vor.u32 v0, v18;
	v18 =	vshll.u32 v20, $0x7;
	v19 =	vld.idx.msk [tilespmem:v19+s2+$0x0], $0xffff  }
0x7b: {  	v18 =	vor.u32 v1, v18;
	v20 =	vld [tilespmem:s3+$0xFFFFFFC0];
	v14 =	vshll.u32 v14, $0x7  }
0x7c: {  	v15 =	vshll.u32 v15, $0x7;
	v23 =	vld.idx.msk [tilespmem:v13+s2+$0x0], $0xffff;
	v14 =	vor.u32 v5, v14  }
0x7d: {  	v15 =	vor.u32 v2, v15;
	v13 =	vshll.u32 v16, $0x7;
	v16 =	vld [tilespmem:s1+$0x60]  }
0x7e: {  	v13 =	vor.u32 v3, v13;
	v21 =	vld.idx.msk [tilespmem:v21+s2+$0x0], $0xffff  }
0x7f: {  	v22 =	vshll.u32 v22, $0x7;
	v17 =	vld.idx.msk [tilespmem:v17+s2+$0x0], $0xffff  }
0x80: {  	v22 =	vor.u32 v1, v22;
	v20 =	vshll.u32 v20, $0x7;
	v24 =	vld [tilespmem:s3+$0x20];
	[tilespmem:s1+$0x40] =	vst v19  }
0x81: {  	v19 =	vor.u32 v4, v20;
	v14 =	vld.idx.msk [tilespmem:v14+s2+$0x0], $0xffff  }
0x82: {  	v20 =	vld [tilespmem:s3+$0xFFFFFFD0];
	[tilespmem:s1+$0xFFFFFFB0] =	vst v23;
	v16 =	vshll.u32 v16, $0x7  }
0x83: {  	v23 =	vld.idx.msk [tilespmem:v12+s2+$0x0], $0xffff;
	v16 =	vor.u32 v6, v16;
	v12 =	vmov v19  }
0x84: {  	[tilespmem:s3+$0x0] =	vst v21;
	v19 =	vld [tilespmem:s1+$0x70]  }
0x85: {  	[tilespmem:s3+$0xFFFFFF80] =	vst v17;
	v17 =	vld.idx.msk [tilespmem:v22+s2+$0x0], $0xffff  }
0x86: {  	v21 =	vshll.u32 v24, $0x7;
	v18 =	vld.idx.msk [tilespmem:v18+s2+$0x0], $0xffff  }
0x87: {  	v21 =	vor.u32 v2, v21;
	v20 =	vshll.u32 v20, $0x7;
	v22 =	vld [tilespmem:s3+$0x30];
	[tilespmem:s1+$0x50] =	vst v14  }
0x88: {  	v14 =	vor.u32 v5, v20;
	v16 =	vld.idx.msk [tilespmem:v16+s2+$0x0], $0xffff  }
0x89: {  	v20 =	vld [tilespmem:s3+$0xFFFFFFE0];
	[tilespmem:s1+$0xFFFFFFC0] =	vst v23;
	v19 =	vshll.u32 v19, $0x7  }
0x8a: {  	v23 =	vld.idx.msk [tilespmem:v10+s2+$0x0], $0xffff;
	v24 =	vor.u32 v7, v19;
	v10 =	vmov v14  }
0x8b: {  	v25 =	vld [tilespmem:s3+$0xFFFFFFF0];
	[tilespmem:s3+$0x10] =	vst v17  }
0x8c: {  	[tilespmem:s3+$0xFFFFFF90] =	vst v18;
	v18 =	vld.idx.msk [tilespmem:v21+s2+$0x0], $0xffff  }
.Ltmp0:
0x8d: {  	v14 =	vshll.u32 v22, $0x7;
	v17 =	vld.idx.msk [tilespmem:v15+s2+$0x0], $0xffff;
	(pc) =	sbr.rel @p0 .LBB2_2-.Ltmp0, $4  }
0x8e: {  	v15 =	vshll.u32 v20, $0x7;
	v20 =	vor.u32 v3, v14;
	v19 =	vld [tilespmem:s3+$0x40];
	[tilespmem:s1+$0x60] =	vst v16  }
0x8f: {  	v21 =	vor.u32 v6, v15;
	v14 =	vld.idx.msk [tilespmem:v24+s2+$0x0], $0xffff  }
0x90: {  	v16 =	vshll.u32 v25, $0x7;
	[tilespmem:s1+$0xFFFFFFD0] =	vst v23;
	v15 =	vld.idx.msk [tilespmem:v8+s2+$0x0], $0xffff;
	v8 =	vmov v9  }
0x91: {  	s3 =	sadd.s32 $0x100, s3;
	v9 =	vor.u32 v7, v16;
	v16 =	vld.idx.msk [tilespmem:v11+s2+$0x0], $0xffff;
	v11 =	vmov v21  }
0x92: {  	_ =	sdelay $0x2  }
0x93: {  	[tilespmem:s20+$0x20] =	vst v18  }
0x94: {  	v18 =	vld.idx.msk [tilespmem:v20+s2+$0x0], $0xffff;
	v19 =	vshll.u32 v19, $0x7  }
0x95: {  	[tilespmem:s20+$0xFFFFFFA0] =	vst v17;
	v17 =	vor.u32 v4, v19;
	v19 =	vld [tilespmem:s20+$0x50]  }
0x96: {  	v13 =	vld.idx.msk [tilespmem:v13+s2+$0x0], $0xffff;
	_ =	sdelay $0x2  }
0x97: {  	[tilespmem:s20+$0x30] =	vst v18  }
0x98: {  	v17 =	vld.idx.msk [tilespmem:v17+s2+$0x0], $0xffff;
	v18 =	vshll.u32 v19, $0x7  }
0x99: {  	[tilespmem:s20+$0xFFFFFFB0] =	vst v13;
	v19 =	vld [tilespmem:s20+$0x60];
	v18 =	vor.u32 v5, v18  }
0x9a: {  	v12 =	vld.idx.msk [tilespmem:v12+s2+$0x0], $0xffff;
	_ =	sdelay $0x2  }
0x9b: {  	[tilespmem:s20+$0x40] =	vst v17  }
0x9c: {  	v13 =	vld.idx.msk [tilespmem:v18+s2+$0x0], $0xffff  }
0x9d: {  	v17 =	vshll.u32 v19, $0x7;
	[tilespmem:s20+$0xFFFFFFC0] =	vst v12;
	v18 =	vld [tilespmem:s20+$0x70]  }
0x9e: {  	v17 =	vor.u32 v6, v17;
	v10 =	vld.idx.msk [tilespmem:v10+s2+$0x0], $0xffff;
	_ =	sdelay $0x3  }
0x9f: {  	[tilespmem:s20+$0x50] =	vst v13  }
0xa0: {  	v13 =	vshll.u32 v18, $0x7;
	[tilespmem:s20+$0xFFFFFFD0] =	vst v10;
	v12 =	vld.idx.msk [tilespmem:v17+s2+$0x0], $0xffff  }
0xa1: {  	v13 =	vor.u32 v7, v13;
	v10 =	vld.idx.msk [tilespmem:v11+s2+$0x0], $0xffff;
	_ =	sdelay $0x2  }
0xa2: {  	[tilespmem:s1+$0xFFFFFFE0] =	vst v16  }
0xa3: {  	v8 =	vld.idx.msk [tilespmem:v8+s2+$0x0], $0xffff;
	[tilespmem:s20+$0x60] =	vst v12  }
0xa4: {  	[tilespmem:s20+$0xFFFFFFE0] =	vst v10;
	v11 =	vld.idx.msk [tilespmem:v13+s2+$0x0], $0xffff  }
0xa5: {  	v9 =	vld.idx.msk [tilespmem:v9+s2+$0x0], $0xffff  }
0xa6: {  	[tilespmem:s1+$0x70] =	vst v14  }
0xa7: {  	[tilespmem:s0+$0xFFFFFFF0] =	vst v15  }
0xa8: {  	[tilespmem:s1+$0xFFFFFFF0] =	vst v8  }
0xa9: {  	[tilespmem:s20+$0x70] =	vst v11  }
0xaa: {  	[tilespmem:s20+$0xFFFFFFF0] =	vst v9  }
0xab: {  	[hbm4b:s7+s16] =	stream.strided.scatter [tilespmem:s18], [sflag:$0x6], $0x6400, s17, s16, $0x38;
	[tilespmem:$0x1F400] =	vst v63  }
0xac: {  	_ = 	snop  }
0xad: {  	[tilespmem:s2], [sflag:$0x1] =	stream.strided.gather [hbm4b:s8+s16], $0x6400, s17, s16, $0x38;
	[tilespmem:$0x1F400] =	vst v63  }
0xae: {  	s23 =	simm.s32 $0x19000  }
0xaf: {  	[tilespmem:s23], [sflag:$0x5] =	stream.strided.gather [hbm4b:s9+s16], $0x6400, s17, s16, $0x38;
	[tilespmem:$0x1F400] =	vst v63  }
0xb0: {  	_ =	swait.ge [sflag:s24], $0x6400  }
0xb1: {  	[sflag:s24] =	ssyncset.done $0x0  }
0xb2: {  	[sflag:s24] =	ssyncadd.s32 $0xFFFF9C00  }
0xb3: {  	_ =	swait.ge [sflag:s25], $0x6400  }
0xb4: {  	[sflag:s25] =	ssyncset.done $0x0  }
0xb5: {  	s0 =	simm.s32 $0x12C80;
	[sflag:s25] =	ssyncadd.s32 $0xFFFF9C00  }
0xb6: {  	v8 =	vld [tilespmem:s0+$0x0];
	_ =	sdelay $0x4  }
0xb7: {  	v9 =	vld [tilespmem:s0+$0xFFFFFF80];
	v8 =	vshll.u32 v8, $0x7  }
0xb8: {  	v10 =	vld [tilespmem:s0+$0x10];
	v8 =	vor.u32 v0, v8;
	_ =	sdelay $0x3  }
0xb9: {  	v11 =	vld [tilespmem:s0+$0xFFFFFF90];
	v9 =	vshll.u32 v9, $0x7  }
0xba: {  	v10 =	vshll.u32 v10, $0x7;
	v9 =	vor.u32 v0, v9;
	v8 =	vld.idx.msk [tilespmem:v8+s19+$0x0], $0xffff  }
0xbb: {  	v12 =	vld [tilespmem:s0+$0x20];
	v10 =	vor.u32 v1, v10  }
0xbc: {  	v13 =	vld [tilespmem:s0+$0xFFFFFFA0]  }
0xbd: {  	v14 =	vld [tilespmem:s0+$0xFFFFFFB0]  }
0xbe: {  	v15 =	vld [tilespmem:s0+$0xFFFFFFC0]  }
0xbf: {  	v11 =	vshll.u32 v11, $0x7;
	v9 =	vld.idx.msk [tilespmem:v9+s19+$0x0], $0xffff;
	[tilespmem:s0+$0x0] =	vst v8  }
0xc0: {  	v11 =	vor.u32 v1, v11;
	v8 =	vld.idx.msk [tilespmem:v10+s19+$0x0], $0xffff;
	v10 =	vshll.u32 v12, $0x7  }
0xc1: {  	v12 =	vld [tilespmem:s0+$0x30];
	v10 =	vor.u32 v2, v10  }
0xc2: {  	v16 =	vld [tilespmem:s0+$0xFFFFFFD0]  }
0xc3: {  	s1 =	simm.s32 $0x12D80;
	v17 =	vld [tilespmem:s0+$0x40]  }
0xc4: {  	v18 =	vld [tilespmem:s1+$0xFFFFFF90];
	[tilespmem:s0+$0xFFFFFF80] =	vst v9  }
0xc5: {  	v9 =	vshll.u32 v13, $0x7;
	v11 =	vld.idx.msk [tilespmem:v11+s19+$0x0], $0xffff;
	[tilespmem:s0+$0x10] =	vst v8  }
0xc6: {  	v9 =	vor.u32 v2, v9;
	v12 =	vshll.u32 v12, $0x7;
	v10 =	vld.idx.msk [tilespmem:v10+s19+$0x0], $0xffff  }
0xc7: {  	v19 =	vld [tilespmem:s0+$0x50];
	v12 =	vor.u32 v3, v12  }
0xc8: {  	v20 =	vld [tilespmem:s1+$0xFFFFFFA0]  }
0xc9: {  	v21 =	vld [tilespmem:s1+$0xFFFFFFB0]  }
0xca: {  	[tilespmem:s0+$0xFFFFFF90] =	vst v11;
	v11 =	vld [tilespmem:s1+$0x0]  }
0xcb: {  	v9 =	vld.idx.msk [tilespmem:v9+s19+$0x0], $0xffff;
	[tilespmem:s0+$0x20] =	vst v10  }
0xcc: {  	v10 =	vld.idx.msk [tilespmem:v12+s19+$0x0], $0xffff  }
0xcd: {  	v12 =	vld [tilespmem:s1+$0xFFFFFF80]  }
0xce: {  	v22 =	vld [tilespmem:s1+$0x10];
	v14 =	vshll.u32 v14, $0x7  }
0xcf: {  	s20 =	simm.s32 $0x12E80;
	v23 =	vld [tilespmem:s1+$0x20];
	v17 =	vshll.u32 v17, $0x7;
	v14 =	vor.u32 v3, v14  }
0xd0: {  	v24 =	vld [tilespmem:s20+$0xFFFFFFB0];
	v17 =	vor.u32 v4, v17;
	v11 =	vshll.u32 v11, $0x7  }
0xd1: {  	v25 =	vld [tilespmem:s20+$0x10];
	v11 =	vor.u32 v0, v11  }
0xd2: {  	v63 =	vld [tilespmem:s20+$0x30];
	[tilespmem:s0+$0xFFFFFFA0] =	vst v9;
	v12 =	vshll.u32 v12, $0x7  }
0xd3: {  	v13 =	vld [tilespmem:s0+$0xFFFFFFE0];
	[tilespmem:s0+$0x30] =	vst v10;
	v10 =	vor.u32 v0, v12  }
0xd4: {  	v14 =	vld.idx.msk [tilespmem:v14+s19+$0x0], $0xffff  }
0xd5: {  	v15 =	vshll.u32 v15, $0x7;
	v12 =	vld.idx.msk [tilespmem:v17+s19+$0x0], $0xffff  }
0xd6: {  	v15 =	vor.u32 v4, v15;
	v11 =	vld.idx.msk [tilespmem:v11+s19+$0x0], $0xffff;
	v17 =	vshll.u32 v19, $0x7  }
0xd7: {  	v22 =	vshll.u32 v22, $0x7;
	v19 =	vld [tilespmem:s0+$0x60];
	v17 =	vor.u32 v5, v17  }
0xd8: {  	v22 =	vor.u32 v1, v22;
	v10 =	vld.idx.msk [tilespmem:v10+s19+$0x0], $0xffff  }
0xd9: {  	v18 =	vshll.u32 v18, $0x7;
	v8 =	vld [tilespmem:s0+$0xFFFFFFF0];
	[tilespmem:s0+$0xFFFFFFB0] =	vst v14  }
0xda: {  	v9 =	vld [tilespmem:s1+$0xFFFFFFC0];
	[tilespmem:s0+$0x40] =	vst v12;
	v12 =	vor.u32 v1, v18  }
0xdb: {  	v15 =	vld.idx.msk [tilespmem:v15+s19+$0x0], $0xffff  }
0xdc: {  	[tilespmem:s1+$0x0] =	vst v11;
	v17 =	vld.idx.msk [tilespmem:v17+s19+$0x0], $0xffff  }
0xdd: {  	v14 =	vshll.u32 v19, $0x7;
	[tilespmem:s1+$0xFFFFFF80] =	vst v10;
	v10 =	vld.idx.msk [tilespmem:v22+s19+$0x0], $0xffff  }
0xde: {  	v19 =	vshll.u32 v23, $0x7;
	v14 =	vor.u32 v6, v14;
	v22 =	vld [tilespmem:s1+$0x30]  }
0xdf: {  	v16 =	vshll.u32 v16, $0x7;
	v19 =	vor.u32 v2, v19;
	v12 =	vld.idx.msk [tilespmem:v12+s19+$0x0], $0xffff  }
0xe0: {  	v16 =	vor.u32 v5, v16;
	v11 =	vld [tilespmem:s0+$0x70]  }
0xe1: {  	v18 =	vld [tilespmem:s1+$0xFFFFFFD0];
	[tilespmem:s0+$0xFFFFFFC0] =	vst v15  }
0xe2: {  	v20 =	vshll.u32 v20, $0x7;
	v23 =	vld [tilespmem:s20+$0xFFFFFFA0];
	[tilespmem:s0+$0x50] =	vst v17  }
0xe3: {  	v17 =	vor.u32 v2, v20;
	v14 =	vld.idx.msk [tilespmem:v14+s19+$0x0], $0xffff;
	[tilespmem:s1+$0x10] =	vst v10  }
0xe4: {  	[tilespmem:s1+$0xFFFFFF90] =	vst v12;
	v10 =	vld.idx.msk [tilespmem:v19+s19+$0x0], $0xffff;
	v12 =	vshll.u32 v22, $0x7  }
0xe5: {  	v15 =	vld.idx.msk [tilespmem:v16+s19+$0x0], $0xffff;
	v12 =	vor.u32 v3, v12  }
0xe6: {  	v16 =	vld [tilespmem:s1+$0xFFFFFFF0]  }
0xe7: {  	v13 =	vshll.u32 v13, $0x7;
	v19 =	vld [tilespmem:s1+$0x40]  }
0xe8: {  	v13 =	vor.u32 v6, v13;
	v17 =	vld.idx.msk [tilespmem:v17+s19+$0x0], $0xffff;
	[tilespmem:s0+$0x60] =	vst v14  }
0xe9: {  	v11 =	vshll.u32 v11, $0x7;
	v14 =	vld [tilespmem:s20+$0x0];
	[tilespmem:s1+$0x20] =	vst v10  }
0xea: {  	v11 =	vor.u32 v7, v11;
	v10 =	vld.idx.msk [tilespmem:v12+s19+$0x0], $0xffff  }
0xeb: {  	v21 =	vshll.u32 v21, $0x7;
	v12 =	vld [tilespmem:s20+$0xFFFFFF80]  }
0xec: {  	v21 =	vor.u32 v3, v21;
	v20 =	vld [tilespmem:s1+$0xFFFFFFE0];
	[tilespmem:s0+$0xFFFFFFD0] =	vst v15;
	v15 =	vshll.u32 v19, $0x7  }
0xed: {  	v13 =	vld.idx.msk [tilespmem:v13+s19+$0x0], $0xffff;
	v15 =	vor.u32 v4, v15  }
0xee: {  	v22 =	vld [tilespmem:s1+$0x50]  }
0xef: {  	v11 =	vld.idx.msk [tilespmem:v11+s19+$0x0], $0xffff;
	v14 =	vshll.u32 v14, $0x7  }
0xf0: {  	v19 =	vld [tilespmem:s20+$0xFFFFFF90];
	[tilespmem:s1+$0xFFFFFFA0] =	vst v17;
	v14 =	vor.u32 v0, v14;
	v12 =	vshll.u32 v12, $0x7  }
0xf1: {  	v21 =	vld.idx.msk [tilespmem:v21+s19+$0x0], $0xffff;
	[tilespmem:s1+$0x30] =	vst v10;
	v10 =	vor.u32 v0, v12  }
0xf2: {  	v9 =	vshll.u32 v9, $0x7;
	v12 =	vld.idx.msk [tilespmem:v15+s19+$0x0], $0xffff  }
0xf3: {  	v9 =	vor.u32 v4, v9;
	v17 =	vshll.u32 v22, $0x7;
	v22 =	vld [tilespmem:s1+$0x60]  }
0xf4: {  	v15 =	vld [tilespmem:s20+$0xFFFFFFC0]  }
0xf5: {  	v17 =	vor.u32 v5, v17;
	v14 =	vld.idx.msk [tilespmem:v14+s19+$0x0], $0xffff  }
0xf6: {  	v25 =	vshll.u32 v25, $0x7;
	[tilespmem:s1+$0xFFFFFFB0] =	vst v21;
	v10 =	vld.idx.msk [tilespmem:v10+s19+$0x0], $0xffff  }
0xf7: {  	v25 =	vor.u32 v1, v25;
	[tilespmem:s1+$0x40] =	vst v12;
	v12 =	vld [tilespmem:s20+$0x20]  }
0xf8: {  	v19 =	vshll.u32 v19, $0x7;
	v9 =	vld.idx.msk [tilespmem:v9+s19+$0x0], $0xffff  }
0xf9: {  	v19 =	vor.u32 v1, v19;
	v21 =	vld [tilespmem:s20+$0xFFFFFFD0]  }
0xfa: {  	v22 =	vshll.u32 v22, $0x7;
	v17 =	vld.idx.msk [tilespmem:v17+s19+$0x0], $0xffff  }
0xfb: {  	v18 =	vshll.u32 v18, $0x7;
	v22 =	vor.u32 v6, v22;
	[tilespmem:s20+$0x0] =	vst v14;
	v14 =	vld [tilespmem:s1+$0x70]  }
0xfc: {  	[tilespmem:s20+$0xFFFFFF80] =	vst v10;
	v10 =	vor.u32 v5, v18;
	v18 =	vld.idx.msk [tilespmem:v25+s19+$0x0], $0xffff;
	v12 =	vshll.u32 v12, $0x7  }
0xfd: {  	[tilespmem:s1+$0xFFFFFFC0] =	vst v9;
	v9 =	vld [tilespmem:s20+$0xFFFFFFE0];
	v12 =	vor.u32 v2, v12  }
0xfe: {  	v8 =	vshll.u32 v8, $0x7;
	v23 =	vshll.u32 v23, $0x7;
	v19 =	vld.idx.msk [tilespmem:v19+s19+$0x0], $0xffff  }
0xff: {  	[tilespmem:s1+$0x50] =	vst v17;
	v17 =	vor.u32 v2, v23;
	v23 =	vor.u32 v7, v8;
	v8 =	vshll.u32 v20, $0x7;
	v20 =	vld [tilespmem:s20+$0xFFFFFFF0]  }
0x100: {  	[tilespmem:s0+$0x70] =	vst v11;
	v14 =	vshll.u32 v14, $0x7;
	v22 =	vld.idx.msk [tilespmem:v22+s19+$0x0], $0xffff  }
0x101: {  	v14 =	vor.u32 v7, v14;
	v11 =	vld.idx.msk [tilespmem:v10+s19+$0x0], $0xffff;
	[tilespmem:s20+$0x10] =	vst v18  }
0x102: {  	v26 =	vor.u32 v6, v8;
	v8 =	vshll.u32 v16, $0x7;
	v18 =	vld.idx.msk [tilespmem:v12+s19+$0x0], $0xffff  }
0x103: {  	v16 =	vshll.u32 v63, $0x7;
	v10 =	vshll.u32 v24, $0x7;
	[tilespmem:s20+$0xFFFFFF90] =	vst v19;
	v12 =	vshll.u32 v15, $0x7;
	v19 =	vld [tilespmem:s20+$0x40]  }
0x104: {  	[tilespmem:s0+$0xFFFFFFE0] =	vst v13;
	v15 =	vshll.u32 v21, $0x7;
	v21 =	vshll.u32 v20, $0x7;
	v20 =	vor.u32 v3, v16;
	v17 =	vld.idx.msk [tilespmem:v17+s19+$0x0], $0xffff  }
0x105: {  	v13 =	vor.u32 v3, v10;
	[tilespmem:s1+$0x60] =	vst v22;
	v10 =	vor.u32 v5, v15;
	v15 =	vld.idx.msk [tilespmem:v23+s19+$0x0], $0xffff  }
0x106: {  	v9 =	vshll.u32 v9, $0x7;
	v8 =	vor.u32 v7, v8;
	v14 =	vld.idx.msk [tilespmem:v14+s19+$0x0], $0xffff;
	[tilespmem:s1+$0xFFFFFFD0] =	vst v11  }
0x107: {  	s3 =	simm.s32 $0x12F80;
	s23 =	simm.s32 $0x4;
	v12 =	vor.u32 v4, v12;
	v11 =	vor.u32 v6, v9;
	v9 =	vor.u32 v7, v21;
	v16 =	vld.idx.msk [tilespmem:v26+s19+$0x0], $0xffff  }
.LBB2_4:
0x108: {  	v21 =	vld [tilespmem:s3+$0x0];
	[tilespmem:s20+$0x20] =	vst v18  }
0x109: {  	s23 =	sadd.s32 $0x2, s23;
	[tilespmem:s20+$0xFFFFFFA0] =	vst v17;
	v17 =	vld.idx.msk [tilespmem:v20+s19+$0x0], $0xffff  }
0x10a: {  	p0 =	slt.u32 s23, $0xC6;
	v19 =	vshll.u32 v19, $0x7;
	v18 =	vld [tilespmem:s3+$0xFFFFFF80]  }
0x10b: {  	v19 =	vor.u32 v4, v19;
	v20 =	vld [tilespmem:s3+$0xFFFFFF90];
	[tilespmem:s1+$0x70] =	vst v14  }
0x10c: {  	v14 =	vld [tilespmem:s20+$0x50];
	[tilespmem:s0+$0xFFFFFFF0] =	vst v15;
	s0 =	smov.u32 s1;
	s1 =	smov.u32 s20;
	s20 =	smov.u32 s3  }
0x10d: {  	v15 =	vld [tilespmem:s3+$0xFFFFFFA0];
	[tilespmem:s0+$0xFFFFFFE0] =	vst v16  }
0x10e: {  	v21 =	vshll.u32 v21, $0x7;
	v16 =	vld [tilespmem:s3+$0xFFFFFFB0]  }
0x10f: {  	v21 =	vor.u32 v0, v21;
	v18 =	vshll.u32 v18, $0x7;
	v22 =	vld [tilespmem:s3+$0x10];
	[tilespmem:s1+$0x30] =	vst v17  }
0x110: {  	v17 =	vor.u32 v0, v18;
	v18 =	vshll.u32 v20, $0x7;
	v19 =	vld.idx.msk [tilespmem:v19+s19+$0x0], $0xffff  }
0x111: {  	v18 =	vor.u32 v1, v18;
	v20 =	vld [tilespmem:s3+$0xFFFFFFC0];
	v14 =	vshll.u32 v14, $0x7  }
0x112: {  	v15 =	vshll.u32 v15, $0x7;
	v23 =	vld.idx.msk [tilespmem:v13+s19+$0x0], $0xffff;
	v14 =	vor.u32 v5, v14  }
0x113: {  	v15 =	vor.u32 v2, v15;
	v13 =	vshll.u32 v16, $0x7;
	v16 =	vld [tilespmem:s1+$0x60]  }
0x114: {  	v13 =	vor.u32 v3, v13;
	v21 =	vld.idx.msk [tilespmem:v21+s19+$0x0], $0xffff  }
0x115: {  	v22 =	vshll.u32 v22, $0x7;
	v17 =	vld.idx.msk [tilespmem:v17+s19+$0x0], $0xffff  }
0x116: {  	v22 =	vor.u32 v1, v22;
	v20 =	vshll.u32 v20, $0x7;
	v24 =	vld [tilespmem:s3+$0x20];
	[tilespmem:s1+$0x40] =	vst v19  }
0x117: {  	v19 =	vor.u32 v4, v20;
	v14 =	vld.idx.msk [tilespmem:v14+s19+$0x0], $0xffff  }
0x118: {  	v20 =	vld [tilespmem:s3+$0xFFFFFFD0];
	[tilespmem:s1+$0xFFFFFFB0] =	vst v23;
	v16 =	vshll.u32 v16, $0x7  }
0x119: {  	v23 =	vld.idx.msk [tilespmem:v12+s19+$0x0], $0xffff;
	v16 =	vor.u32 v6, v16;
	v12 =	vmov v19  }
0x11a: {  	[tilespmem:s3+$0x0] =	vst v21;
	v19 =	vld [tilespmem:s1+$0x70]  }
0x11b: {  	[tilespmem:s3+$0xFFFFFF80] =	vst v17;
	v17 =	vld.idx.msk [tilespmem:v22+s19+$0x0], $0xffff  }
0x11c: {  	v21 =	vshll.u32 v24, $0x7;
	v18 =	vld.idx.msk [tilespmem:v18+s19+$0x0], $0xffff  }
0x11d: {  	v21 =	vor.u32 v2, v21;
	v20 =	vshll.u32 v20, $0x7;
	v22 =	vld [tilespmem:s3+$0x30];
	[tilespmem:s1+$0x50] =	vst v14  }
0x11e: {  	v14 =	vor.u32 v5, v20;
	v16 =	vld.idx.msk [tilespmem:v16+s19+$0x0], $0xffff  }
0x11f: {  	v20 =	vld [tilespmem:s3+$0xFFFFFFE0];
	[tilespmem:s1+$0xFFFFFFC0] =	vst v23;
	v19 =	vshll.u32 v19, $0x7  }
0x120: {  	v23 =	vld.idx.msk [tilespmem:v10+s19+$0x0], $0xffff;
	v24 =	vor.u32 v7, v19;
	v10 =	vmov v14  }
0x121: {  	v25 =	vld [tilespmem:s3+$0xFFFFFFF0];
	[tilespmem:s3+$0x10] =	vst v17  }
0x122: {  	[tilespmem:s3+$0xFFFFFF90] =	vst v18;
	v18 =	vld.idx.msk [tilespmem:v21+s19+$0x0], $0xffff  }
.Ltmp1:
0x123: {  	v14 =	vshll.u32 v22, $0x7;
	v17 =	vld.idx.msk [tilespmem:v15+s19+$0x0], $0xffff;
	(pc) =	sbr.rel @p0 .LBB2_4-.Ltmp1, $4  }
0x124: {  	v15 =	vshll.u32 v20, $0x7;
	v20 =	vor.u32 v3, v14;
	v19 =	vld [tilespmem:s3+$0x40];
	[tilespmem:s1+$0x60] =	vst v16  }
0x125: {  	v21 =	vor.u32 v6, v15;
	v14 =	vld.idx.msk [tilespmem:v24+s19+$0x0], $0xffff  }
0x126: {  	v16 =	vshll.u32 v25, $0x7;
	[tilespmem:s1+$0xFFFFFFD0] =	vst v23;
	v15 =	vld.idx.msk [tilespmem:v8+s19+$0x0], $0xffff;
	v8 =	vmov v9  }
0x127: {  	s3 =	sadd.s32 $0x100, s3;
	v9 =	vor.u32 v7, v16;
	v16 =	vld.idx.msk [tilespmem:v11+s19+$0x0], $0xffff;
	v11 =	vmov v21  }
0x128: {  	_ =	sdelay $0x2  }
0x129: {  	[tilespmem:s20+$0x20] =	vst v18  }
0x12a: {  	v18 =	vld.idx.msk [tilespmem:v20+s19+$0x0], $0xffff;
	v19 =	vshll.u32 v19, $0x7  }
0x12b: {  	[tilespmem:s20+$0xFFFFFFA0] =	vst v17;
	v17 =	vor.u32 v4, v19;
	v19 =	vld [tilespmem:s20+$0x50]  }
0x12c: {  	v13 =	vld.idx.msk [tilespmem:v13+s19+$0x0], $0xffff;
	_ =	sdelay $0x2  }
0x12d: {  	[tilespmem:s20+$0x30] =	vst v18  }
0x12e: {  	v17 =	vld.idx.msk [tilespmem:v17+s19+$0x0], $0xffff;
	v18 =	vshll.u32 v19, $0x7  }
0x12f: {  	[tilespmem:s20+$0xFFFFFFB0] =	vst v13;
	v19 =	vld [tilespmem:s20+$0x60];
	v18 =	vor.u32 v5, v18  }
0x130: {  	v12 =	vld.idx.msk [tilespmem:v12+s19+$0x0], $0xffff;
	_ =	sdelay $0x2  }
0x131: {  	[tilespmem:s20+$0x40] =	vst v17  }
0x132: {  	v13 =	vld.idx.msk [tilespmem:v18+s19+$0x0], $0xffff  }
0x133: {  	v17 =	vshll.u32 v19, $0x7;
	[tilespmem:s20+$0xFFFFFFC0] =	vst v12;
	v18 =	vld [tilespmem:s20+$0x70]  }
0x134: {  	v17 =	vor.u32 v6, v17;
	v10 =	vld.idx.msk [tilespmem:v10+s19+$0x0], $0xffff;
	_ =	sdelay $0x3  }
0x135: {  	[tilespmem:s20+$0x50] =	vst v13  }
0x136: {  	v13 =	vshll.u32 v18, $0x7;
	[tilespmem:s20+$0xFFFFFFD0] =	vst v10;
	v12 =	vld.idx.msk [tilespmem:v17+s19+$0x0], $0xffff  }
0x137: {  	v13 =	vor.u32 v7, v13;
	v10 =	vld.idx.msk [tilespmem:v11+s19+$0x0], $0xffff;
	_ =	sdelay $0x2  }
0x138: {  	[tilespmem:s1+$0xFFFFFFE0] =	vst v16  }
0x139: {  	v8 =	vld.idx.msk [tilespmem:v8+s19+$0x0], $0xffff;
	[tilespmem:s20+$0x60] =	vst v12  }
0x13a: {  	[tilespmem:s20+$0xFFFFFFE0] =	vst v10;
	v11 =	vld.idx.msk [tilespmem:v13+s19+$0x0], $0xffff  }
0x13b: {  	v9 =	vld.idx.msk [tilespmem:v9+s19+$0x0], $0xffff  }
0x13c: {  	[tilespmem:s1+$0x70] =	vst v14  }
0x13d: {  	[tilespmem:s0+$0xFFFFFFF0] =	vst v15  }
0x13e: {  	[tilespmem:s1+$0xFFFFFFF0] =	vst v8  }
0x13f: {  	[tilespmem:s20+$0x70] =	vst v11  }
0x140: {  	s23 =	simm.s32 $0x12C00;
	[tilespmem:s20+$0xFFFFFFF0] =	vst v9  }
0x141: {  	[hbm4b:s10+s16] =	stream.strided.scatter [tilespmem:s23], [sflag:$0x7], $0x6400, s17, s16, $0x38;
	[tilespmem:$0x1F400] =	vst v63  }
0x142: {  	_ =	swait.ge [sflag:s26], $0x6400  }
0x143: {  	[sflag:s26] =	ssyncset.done $0x0  }
0x144: {  	[sflag:s26] =	ssyncadd.s32 $0xFFFF9C00  }
0x145: {  	[tilespmem:s19], [sflag:$0x2] =	stream.strided.gather [hbm4b:s11+s16], $0x6400, s17, s16, $0x38;
	[tilespmem:$0x1F400] =	vst v63  }
0x146: {  	_ = 	snop  }
0x147: {  	[tilespmem:s18], [sflag:$0x3] =	stream.strided.gather [hbm4b:s12+s16], $0x6400, s17, s16, $0x38;
	[tilespmem:$0x1F400] =	vst v63  }
0x148: {  	_ =	swait.ge [sflag:s21], $0x6400  }
0x149: {  	[sflag:s21] =	ssyncset.done $0x0  }
0x14a: {  	[sflag:s21] =	ssyncadd.s32 $0xFFFF9C00  }
0x14b: {  	_ =	swait.ge [sflag:s28], $0x6400  }
0x14c: {  	[sflag:s28] =	ssyncset.done $0x0  }
0x14d: {  	s0 =	simm.s32 $0x19080;
	[sflag:s28] =	ssyncadd.s32 $0xFFFF9C00  }
0x14e: {  	v8 =	vld [tilespmem:s0+$0x0];
	_ =	sdelay $0x4  }
0x14f: {  	v9 =	vld [tilespmem:s0+$0xFFFFFF80];
	v8 =	vshll.u32 v8, $0x7  }
0x150: {  	v10 =	vld [tilespmem:s0+$0x10];
	v8 =	vor.u32 v0, v8;
	_ =	sdelay $0x3  }
0x151: {  	v11 =	vld [tilespmem:s0+$0xFFFFFF90];
	v9 =	vshll.u32 v9, $0x7  }
0x152: {  	v10 =	vshll.u32 v10, $0x7;
	v9 =	vor.u32 v0, v9;
	v8 =	vld.idx.msk [tilespmem:v8+s2+$0x0], $0xffff  }
0x153: {  	v12 =	vld [tilespmem:s0+$0x20];
	v10 =	vor.u32 v1, v10  }
0x154: {  	v13 =	vld [tilespmem:s0+$0xFFFFFFA0]  }
0x155: {  	v14 =	vld [tilespmem:s0+$0xFFFFFFB0]  }
0x156: {  	v15 =	vld [tilespmem:s0+$0xFFFFFFC0]  }
0x157: {  	v11 =	vshll.u32 v11, $0x7;
	v9 =	vld.idx.msk [tilespmem:v9+s2+$0x0], $0xffff;
	[tilespmem:s0+$0x0] =	vst v8  }
0x158: {  	v11 =	vor.u32 v1, v11;
	v8 =	vld.idx.msk [tilespmem:v10+s2+$0x0], $0xffff;
	v10 =	vshll.u32 v12, $0x7  }
0x159: {  	v12 =	vld [tilespmem:s0+$0x30];
	v10 =	vor.u32 v2, v10  }
0x15a: {  	v16 =	vld [tilespmem:s0+$0xFFFFFFD0]  }
0x15b: {  	s1 =	simm.s32 $0x19180;
	v17 =	vld [tilespmem:s0+$0x40]  }
0x15c: {  	v18 =	vld [tilespmem:s1+$0xFFFFFF90];
	[tilespmem:s0+$0xFFFFFF80] =	vst v9  }
0x15d: {  	v9 =	vshll.u32 v13, $0x7;
	v11 =	vld.idx.msk [tilespmem:v11+s2+$0x0], $0xffff;
	[tilespmem:s0+$0x10] =	vst v8  }
0x15e: {  	v9 =	vor.u32 v2, v9;
	v12 =	vshll.u32 v12, $0x7;
	v10 =	vld.idx.msk [tilespmem:v10+s2+$0x0], $0xffff  }
0x15f: {  	v19 =	vld [tilespmem:s0+$0x50];
	v12 =	vor.u32 v3, v12  }
0x160: {  	v20 =	vld [tilespmem:s1+$0xFFFFFFA0]  }
0x161: {  	v21 =	vld [tilespmem:s1+$0xFFFFFFB0]  }
0x162: {  	[tilespmem:s0+$0xFFFFFF90] =	vst v11;
	v11 =	vld [tilespmem:s1+$0x0]  }
0x163: {  	v9 =	vld.idx.msk [tilespmem:v9+s2+$0x0], $0xffff;
	[tilespmem:s0+$0x20] =	vst v10  }
0x164: {  	v10 =	vld.idx.msk [tilespmem:v12+s2+$0x0], $0xffff  }
0x165: {  	v12 =	vld [tilespmem:s1+$0xFFFFFF80]  }
0x166: {  	v22 =	vld [tilespmem:s1+$0x10];
	v14 =	vshll.u32 v14, $0x7  }
0x167: {  	s20 =	simm.s32 $0x19280;
	v23 =	vld [tilespmem:s1+$0x20];
	v17 =	vshll.u32 v17, $0x7;
	v14 =	vor.u32 v3, v14  }
0x168: {  	v24 =	vld [tilespmem:s20+$0xFFFFFFB0];
	v17 =	vor.u32 v4, v17;
	v11 =	vshll.u32 v11, $0x7  }
0x169: {  	v25 =	vld [tilespmem:s20+$0x10];
	v11 =	vor.u32 v0, v11  }
0x16a: {  	v63 =	vld [tilespmem:s20+$0x30];
	[tilespmem:s0+$0xFFFFFFA0] =	vst v9;
	v12 =	vshll.u32 v12, $0x7  }
0x16b: {  	v13 =	vld [tilespmem:s0+$0xFFFFFFE0];
	[tilespmem:s0+$0x30] =	vst v10;
	v10 =	vor.u32 v0, v12  }
0x16c: {  	v14 =	vld.idx.msk [tilespmem:v14+s2+$0x0], $0xffff  }
0x16d: {  	v15 =	vshll.u32 v15, $0x7;
	v12 =	vld.idx.msk [tilespmem:v17+s2+$0x0], $0xffff  }
0x16e: {  	v15 =	vor.u32 v4, v15;
	v11 =	vld.idx.msk [tilespmem:v11+s2+$0x0], $0xffff;
	v17 =	vshll.u32 v19, $0x7  }
0x16f: {  	v22 =	vshll.u32 v22, $0x7;
	v19 =	vld [tilespmem:s0+$0x60];
	v17 =	vor.u32 v5, v17  }
0x170: {  	v22 =	vor.u32 v1, v22;
	v10 =	vld.idx.msk [tilespmem:v10+s2+$0x0], $0xffff  }
0x171: {  	v18 =	vshll.u32 v18, $0x7;
	v8 =	vld [tilespmem:s0+$0xFFFFFFF0];
	[tilespmem:s0+$0xFFFFFFB0] =	vst v14  }
0x172: {  	v9 =	vld [tilespmem:s1+$0xFFFFFFC0];
	[tilespmem:s0+$0x40] =	vst v12;
	v12 =	vor.u32 v1, v18  }
0x173: {  	v15 =	vld.idx.msk [tilespmem:v15+s2+$0x0], $0xffff  }
0x174: {  	[tilespmem:s1+$0x0] =	vst v11;
	v17 =	vld.idx.msk [tilespmem:v17+s2+$0x0], $0xffff  }
0x175: {  	v14 =	vshll.u32 v19, $0x7;
	[tilespmem:s1+$0xFFFFFF80] =	vst v10;
	v10 =	vld.idx.msk [tilespmem:v22+s2+$0x0], $0xffff  }
0x176: {  	v19 =	vshll.u32 v23, $0x7;
	v14 =	vor.u32 v6, v14;
	v22 =	vld [tilespmem:s1+$0x30]  }
0x177: {  	v16 =	vshll.u32 v16, $0x7;
	v19 =	vor.u32 v2, v19;
	v12 =	vld.idx.msk [tilespmem:v12+s2+$0x0], $0xffff  }
0x178: {  	v16 =	vor.u32 v5, v16;
	v11 =	vld [tilespmem:s0+$0x70]  }
0x179: {  	v18 =	vld [tilespmem:s1+$0xFFFFFFD0];
	[tilespmem:s0+$0xFFFFFFC0] =	vst v15  }
0x17a: {  	v20 =	vshll.u32 v20, $0x7;
	v23 =	vld [tilespmem:s20+$0xFFFFFFA0];
	[tilespmem:s0+$0x50] =	vst v17  }
0x17b: {  	v17 =	vor.u32 v2, v20;
	v14 =	vld.idx.msk [tilespmem:v14+s2+$0x0], $0xffff;
	[tilespmem:s1+$0x10] =	vst v10  }
0x17c: {  	[tilespmem:s1+$0xFFFFFF90] =	vst v12;
	v10 =	vld.idx.msk [tilespmem:v19+s2+$0x0], $0xffff;
	v12 =	vshll.u32 v22, $0x7  }
0x17d: {  	v15 =	vld.idx.msk [tilespmem:v16+s2+$0x0], $0xffff;
	v12 =	vor.u32 v3, v12  }
0x17e: {  	v16 =	vld [tilespmem:s1+$0xFFFFFFF0]  }
0x17f: {  	v13 =	vshll.u32 v13, $0x7;
	v19 =	vld [tilespmem:s1+$0x40]  }
0x180: {  	v13 =	vor.u32 v6, v13;
	v17 =	vld.idx.msk [tilespmem:v17+s2+$0x0], $0xffff;
	[tilespmem:s0+$0x60] =	vst v14  }
0x181: {  	v11 =	vshll.u32 v11, $0x7;
	v14 =	vld [tilespmem:s20+$0x0];
	[tilespmem:s1+$0x20] =	vst v10  }
0x182: {  	v11 =	vor.u32 v7, v11;
	v10 =	vld.idx.msk [tilespmem:v12+s2+$0x0], $0xffff  }
0x183: {  	v21 =	vshll.u32 v21, $0x7;
	v12 =	vld [tilespmem:s20+$0xFFFFFF80]  }
0x184: {  	v21 =	vor.u32 v3, v21;
	v20 =	vld [tilespmem:s1+$0xFFFFFFE0];
	[tilespmem:s0+$0xFFFFFFD0] =	vst v15;
	v15 =	vshll.u32 v19, $0x7  }
0x185: {  	v13 =	vld.idx.msk [tilespmem:v13+s2+$0x0], $0xffff;
	v15 =	vor.u32 v4, v15  }
0x186: {  	v22 =	vld [tilespmem:s1+$0x50]  }
0x187: {  	v11 =	vld.idx.msk [tilespmem:v11+s2+$0x0], $0xffff;
	v14 =	vshll.u32 v14, $0x7  }
0x188: {  	v19 =	vld [tilespmem:s20+$0xFFFFFF90];
	[tilespmem:s1+$0xFFFFFFA0] =	vst v17;
	v14 =	vor.u32 v0, v14;
	v12 =	vshll.u32 v12, $0x7  }
0x189: {  	v21 =	vld.idx.msk [tilespmem:v21+s2+$0x0], $0xffff;
	[tilespmem:s1+$0x30] =	vst v10;
	v10 =	vor.u32 v0, v12  }
0x18a: {  	v9 =	vshll.u32 v9, $0x7;
	v12 =	vld.idx.msk [tilespmem:v15+s2+$0x0], $0xffff  }
0x18b: {  	v9 =	vor.u32 v4, v9;
	v17 =	vshll.u32 v22, $0x7;
	v22 =	vld [tilespmem:s1+$0x60]  }
0x18c: {  	v15 =	vld [tilespmem:s20+$0xFFFFFFC0]  }
0x18d: {  	v17 =	vor.u32 v5, v17;
	v14 =	vld.idx.msk [tilespmem:v14+s2+$0x0], $0xffff  }
0x18e: {  	v25 =	vshll.u32 v25, $0x7;
	[tilespmem:s1+$0xFFFFFFB0] =	vst v21;
	v10 =	vld.idx.msk [tilespmem:v10+s2+$0x0], $0xffff  }
0x18f: {  	v25 =	vor.u32 v1, v25;
	[tilespmem:s1+$0x40] =	vst v12;
	v12 =	vld [tilespmem:s20+$0x20]  }
0x190: {  	v19 =	vshll.u32 v19, $0x7;
	v9 =	vld.idx.msk [tilespmem:v9+s2+$0x0], $0xffff  }
0x191: {  	v19 =	vor.u32 v1, v19;
	v21 =	vld [tilespmem:s20+$0xFFFFFFD0]  }
0x192: {  	v22 =	vshll.u32 v22, $0x7;
	v17 =	vld.idx.msk [tilespmem:v17+s2+$0x0], $0xffff  }
0x193: {  	v18 =	vshll.u32 v18, $0x7;
	v22 =	vor.u32 v6, v22;
	[tilespmem:s20+$0x0] =	vst v14;
	v14 =	vld [tilespmem:s1+$0x70]  }
0x194: {  	[tilespmem:s20+$0xFFFFFF80] =	vst v10;
	v10 =	vor.u32 v5, v18;
	v18 =	vld.idx.msk [tilespmem:v25+s2+$0x0], $0xffff;
	v12 =	vshll.u32 v12, $0x7  }
0x195: {  	[tilespmem:s1+$0xFFFFFFC0] =	vst v9;
	v9 =	vld [tilespmem:s20+$0xFFFFFFE0];
	v12 =	vor.u32 v2, v12  }
0x196: {  	v8 =	vshll.u32 v8, $0x7;
	v23 =	vshll.u32 v23, $0x7;
	v19 =	vld.idx.msk [tilespmem:v19+s2+$0x0], $0xffff  }
0x197: {  	[tilespmem:s1+$0x50] =	vst v17;
	v17 =	vor.u32 v2, v23;
	v23 =	vor.u32 v7, v8;
	v8 =	vshll.u32 v20, $0x7;
	v20 =	vld [tilespmem:s20+$0xFFFFFFF0]  }
0x198: {  	[tilespmem:s0+$0x70] =	vst v11;
	v14 =	vshll.u32 v14, $0x7;
	v22 =	vld.idx.msk [tilespmem:v22+s2+$0x0], $0xffff  }
0x199: {  	v14 =	vor.u32 v7, v14;
	v11 =	vld.idx.msk [tilespmem:v10+s2+$0x0], $0xffff;
	[tilespmem:s20+$0x10] =	vst v18  }
0x19a: {  	v26 =	vor.u32 v6, v8;
	v8 =	vshll.u32 v16, $0x7;
	v18 =	vld.idx.msk [tilespmem:v12+s2+$0x0], $0xffff  }
0x19b: {  	v16 =	vshll.u32 v63, $0x7;
	v10 =	vshll.u32 v24, $0x7;
	[tilespmem:s20+$0xFFFFFF90] =	vst v19;
	v12 =	vshll.u32 v15, $0x7;
	v19 =	vld [tilespmem:s20+$0x40]  }
0x19c: {  	[tilespmem:s0+$0xFFFFFFE0] =	vst v13;
	v15 =	vshll.u32 v21, $0x7;
	v21 =	vshll.u32 v20, $0x7;
	v20 =	vor.u32 v3, v16;
	v17 =	vld.idx.msk [tilespmem:v17+s2+$0x0], $0xffff  }
0x19d: {  	v13 =	vor.u32 v3, v10;
	[tilespmem:s1+$0x60] =	vst v22;
	v10 =	vor.u32 v5, v15;
	v15 =	vld.idx.msk [tilespmem:v23+s2+$0x0], $0xffff  }
0x19e: {  	v9 =	vshll.u32 v9, $0x7;
	v8 =	vor.u32 v7, v8;
	v14 =	vld.idx.msk [tilespmem:v14+s2+$0x0], $0xffff;
	[tilespmem:s1+$0xFFFFFFD0] =	vst v11  }
0x19f: {  	s3 =	simm.s32 $0x19380;
	s23 =	simm.s32 $0x4;
	v12 =	vor.u32 v4, v12;
	v11 =	vor.u32 v6, v9;
	v9 =	vor.u32 v7, v21;
	v16 =	vld.idx.msk [tilespmem:v26+s2+$0x0], $0xffff  }
.LBB2_6:
0x1a0: {  	v21 =	vld [tilespmem:s3+$0x0];
	[tilespmem:s20+$0x20] =	vst v18  }
0x1a1: {  	s23 =	sadd.s32 $0x2, s23;
	[tilespmem:s20+$0xFFFFFFA0] =	vst v17;
	v17 =	vld.idx.msk [tilespmem:v20+s2+$0x0], $0xffff  }
0x1a2: {  	p0 =	slt.u32 s23, $0xC6;
	v19 =	vshll.u32 v19, $0x7;
	v18 =	vld [tilespmem:s3+$0xFFFFFF80]  }
0x1a3: {  	v19 =	vor.u32 v4, v19;
	v20 =	vld [tilespmem:s3+$0xFFFFFF90];
	[tilespmem:s1+$0x70] =	vst v14  }
0x1a4: {  	v14 =	vld [tilespmem:s20+$0x50];
	[tilespmem:s0+$0xFFFFFFF0] =	vst v15;
	s0 =	smov.u32 s1;
	s1 =	smov.u32 s20;
	s20 =	smov.u32 s3  }
0x1a5: {  	v15 =	vld [tilespmem:s3+$0xFFFFFFA0];
	[tilespmem:s0+$0xFFFFFFE0] =	vst v16  }
0x1a6: {  	v21 =	vshll.u32 v21, $0x7;
	v16 =	vld [tilespmem:s3+$0xFFFFFFB0]  }
0x1a7: {  	v21 =	vor.u32 v0, v21;
	v18 =	vshll.u32 v18, $0x7;
	v22 =	vld [tilespmem:s3+$0x10];
	[tilespmem:s1+$0x30] =	vst v17  }
0x1a8: {  	v17 =	vor.u32 v0, v18;
	v18 =	vshll.u32 v20, $0x7;
	v19 =	vld.idx.msk [tilespmem:v19+s2+$0x0], $0xffff  }
0x1a9: {  	v18 =	vor.u32 v1, v18;
	v20 =	vld [tilespmem:s3+$0xFFFFFFC0];
	v14 =	vshll.u32 v14, $0x7  }
0x1aa: {  	v15 =	vshll.u32 v15, $0x7;
	v23 =	vld.idx.msk [tilespmem:v13+s2+$0x0], $0xffff;
	v14 =	vor.u32 v5, v14  }
0x1ab: {  	v15 =	vor.u32 v2, v15;
	v13 =	vshll.u32 v16, $0x7;
	v16 =	vld [tilespmem:s1+$0x60]  }
0x1ac: {  	v13 =	vor.u32 v3, v13;
	v21 =	vld.idx.msk [tilespmem:v21+s2+$0x0], $0xffff  }
0x1ad: {  	v22 =	vshll.u32 v22, $0x7;
	v17 =	vld.idx.msk [tilespmem:v17+s2+$0x0], $0xffff  }
0x1ae: {  	v22 =	vor.u32 v1, v22;
	v20 =	vshll.u32 v20, $0x7;
	v24 =	vld [tilespmem:s3+$0x20];
	[tilespmem:s1+$0x40] =	vst v19  }
0x1af: {  	v19 =	vor.u32 v4, v20;
	v14 =	vld.idx.msk [tilespmem:v14+s2+$0x0], $0xffff  }
0x1b0: {  	v20 =	vld [tilespmem:s3+$0xFFFFFFD0];
	[tilespmem:s1+$0xFFFFFFB0] =	vst v23;
	v16 =	vshll.u32 v16, $0x7  }
0x1b1: {  	v23 =	vld.idx.msk [tilespmem:v12+s2+$0x0], $0xffff;
	v16 =	vor.u32 v6, v16;
	v12 =	vmov v19  }
0x1b2: {  	[tilespmem:s3+$0x0] =	vst v21;
	v19 =	vld [tilespmem:s1+$0x70]  }
0x1b3: {  	[tilespmem:s3+$0xFFFFFF80] =	vst v17;
	v17 =	vld.idx.msk [tilespmem:v22+s2+$0x0], $0xffff  }
0x1b4: {  	v21 =	vshll.u32 v24, $0x7;
	v18 =	vld.idx.msk [tilespmem:v18+s2+$0x0], $0xffff  }
0x1b5: {  	v21 =	vor.u32 v2, v21;
	v20 =	vshll.u32 v20, $0x7;
	v22 =	vld [tilespmem:s3+$0x30];
	[tilespmem:s1+$0x50] =	vst v14  }
0x1b6: {  	v14 =	vor.u32 v5, v20;
	v16 =	vld.idx.msk [tilespmem:v16+s2+$0x0], $0xffff  }
0x1b7: {  	v20 =	vld [tilespmem:s3+$0xFFFFFFE0];
	[tilespmem:s1+$0xFFFFFFC0] =	vst v23;
	v19 =	vshll.u32 v19, $0x7  }
0x1b8: {  	v23 =	vld.idx.msk [tilespmem:v10+s2+$0x0], $0xffff;
	v24 =	vor.u32 v7, v19;
	v10 =	vmov v14  }
0x1b9: {  	v25 =	vld [tilespmem:s3+$0xFFFFFFF0];
	[tilespmem:s3+$0x10] =	vst v17  }
0x1ba: {  	[tilespmem:s3+$0xFFFFFF90] =	vst v18;
	v18 =	vld.idx.msk [tilespmem:v21+s2+$0x0], $0xffff  }
.Ltmp2:
0x1bb: {  	v14 =	vshll.u32 v22, $0x7;
	v17 =	vld.idx.msk [tilespmem:v15+s2+$0x0], $0xffff;
	(pc) =	sbr.rel @p0 .LBB2_6-.Ltmp2, $4  }
0x1bc: {  	v15 =	vshll.u32 v20, $0x7;
	v20 =	vor.u32 v3, v14;
	v19 =	vld [tilespmem:s3+$0x40];
	[tilespmem:s1+$0x60] =	vst v16  }
0x1bd: {  	v21 =	vor.u32 v6, v15;
	v14 =	vld.idx.msk [tilespmem:v24+s2+$0x0], $0xffff  }
0x1be: {  	v16 =	vshll.u32 v25, $0x7;
	[tilespmem:s1+$0xFFFFFFD0] =	vst v23;
	v15 =	vld.idx.msk [tilespmem:v8+s2+$0x0], $0xffff;
	v8 =	vmov v9  }
0x1bf: {  	s3 =	sadd.s32 $0x100, s3;
	v9 =	vor.u32 v7, v16;
	v16 =	vld.idx.msk [tilespmem:v11+s2+$0x0], $0xffff;
	v11 =	vmov v21  }
0x1c0: {  	_ =	sdelay $0x2  }
0x1c1: {  	[tilespmem:s20+$0x20] =	vst v18  }
0x1c2: {  	v18 =	vld.idx.msk [tilespmem:v20+s2+$0x0], $0xffff;
	v19 =	vshll.u32 v19, $0x7  }
0x1c3: {  	[tilespmem:s20+$0xFFFFFFA0] =	vst v17;
	v17 =	vor.u32 v4, v19;
	v19 =	vld [tilespmem:s20+$0x50]  }
0x1c4: {  	v13 =	vld.idx.msk [tilespmem:v13+s2+$0x0], $0xffff;
	_ =	sdelay $0x2  }
0x1c5: {  	[tilespmem:s20+$0x30] =	vst v18  }
0x1c6: {  	v17 =	vld.idx.msk [tilespmem:v17+s2+$0x0], $0xffff;
	v18 =	vshll.u32 v19, $0x7  }
0x1c7: {  	[tilespmem:s20+$0xFFFFFFB0] =	vst v13;
	v19 =	vld [tilespmem:s20+$0x60];
	v18 =	vor.u32 v5, v18  }
0x1c8: {  	v12 =	vld.idx.msk [tilespmem:v12+s2+$0x0], $0xffff;
	_ =	sdelay $0x2  }
0x1c9: {  	[tilespmem:s20+$0x40] =	vst v17  }
0x1ca: {  	v13 =	vld.idx.msk [tilespmem:v18+s2+$0x0], $0xffff  }
0x1cb: {  	v17 =	vshll.u32 v19, $0x7;
	[tilespmem:s20+$0xFFFFFFC0] =	vst v12;
	v18 =	vld [tilespmem:s20+$0x70]  }
0x1cc: {  	v17 =	vor.u32 v6, v17;
	v10 =	vld.idx.msk [tilespmem:v10+s2+$0x0], $0xffff;
	_ =	sdelay $0x3  }
0x1cd: {  	[tilespmem:s20+$0x50] =	vst v13  }
0x1ce: {  	v13 =	vshll.u32 v18, $0x7;
	[tilespmem:s20+$0xFFFFFFD0] =	vst v10;
	v12 =	vld.idx.msk [tilespmem:v17+s2+$0x0], $0xffff  }
0x1cf: {  	v13 =	vor.u32 v7, v13;
	v10 =	vld.idx.msk [tilespmem:v11+s2+$0x0], $0xffff;
	_ =	sdelay $0x2  }
0x1d0: {  	[tilespmem:s1+$0xFFFFFFE0] =	vst v16  }
0x1d1: {  	v8 =	vld.idx.msk [tilespmem:v8+s2+$0x0], $0xffff;
	[tilespmem:s20+$0x60] =	vst v12  }
0x1d2: {  	[tilespmem:s20+$0xFFFFFFE0] =	vst v10;
	v11 =	vld.idx.msk [tilespmem:v13+s2+$0x0], $0xffff  }
0x1d3: {  	v9 =	vld.idx.msk [tilespmem:v9+s2+$0x0], $0xffff  }
0x1d4: {  	[tilespmem:s1+$0x70] =	vst v14  }
0x1d5: {  	[tilespmem:s0+$0xFFFFFFF0] =	vst v15  }
0x1d6: {  	[tilespmem:s1+$0xFFFFFFF0] =	vst v8  }
0x1d7: {  	[tilespmem:s20+$0x70] =	vst v11  }
0x1d8: {  	s23 =	simm.s32 $0x19000;
	[tilespmem:s20+$0xFFFFFFF0] =	vst v9  }
0x1d9: {  	[hbm4b:s13+s16] =	stream.strided.scatter [tilespmem:s23], [sflag:$0x8], $0x6400, s17, s16, $0x38;
	[tilespmem:$0x1F400] =	vst v63  }
0x1da: {  	_ =	swait.ge [sflag:s24], $0x6400  }
0x1db: {  	[sflag:s24] =	ssyncset.done $0x0  }
0x1dc: {  	[sflag:s24] =	ssyncadd.s32 $0xFFFF9C00  }
0x1dd: {  	_ =	swait.ge [sflag:s22], $0x6400  }
0x1de: {  	[sflag:s22] =	ssyncset.done $0x0  }
0x1df: {  	s0 =	simm.s32 $0xC880;
	[sflag:s22] =	ssyncadd.s32 $0xFFFF9C00  }
0x1e0: {  	v8 =	vld [tilespmem:s0+$0x0];
	_ =	sdelay $0x4  }
0x1e1: {  	v9 =	vld [tilespmem:s0+$0xFFFFFF80];
	v8 =	vshll.u32 v8, $0x7  }
0x1e2: {  	v10 =	vld [tilespmem:s0+$0x10];
	v8 =	vor.u32 v0, v8;
	_ =	sdelay $0x3  }
0x1e3: {  	v11 =	vld [tilespmem:s0+$0xFFFFFF90];
	v9 =	vshll.u32 v9, $0x7  }
0x1e4: {  	v10 =	vshll.u32 v10, $0x7;
	v9 =	vor.u32 v0, v9;
	v8 =	vld.idx.msk [tilespmem:v8+s19+$0x0], $0xffff  }
0x1e5: {  	v12 =	vld [tilespmem:s0+$0x20];
	v10 =	vor.u32 v1, v10  }
0x1e6: {  	v13 =	vld [tilespmem:s0+$0xFFFFFFA0]  }
0x1e7: {  	v14 =	vld [tilespmem:s0+$0xFFFFFFB0]  }
0x1e8: {  	v15 =	vld [tilespmem:s0+$0xFFFFFFC0]  }
0x1e9: {  	v11 =	vshll.u32 v11, $0x7;
	v9 =	vld.idx.msk [tilespmem:v9+s19+$0x0], $0xffff;
	[tilespmem:s0+$0x0] =	vst v8  }
0x1ea: {  	v11 =	vor.u32 v1, v11;
	v8 =	vld.idx.msk [tilespmem:v10+s19+$0x0], $0xffff;
	v10 =	vshll.u32 v12, $0x7  }
0x1eb: {  	v12 =	vld [tilespmem:s0+$0x30];
	v10 =	vor.u32 v2, v10  }
0x1ec: {  	v16 =	vld [tilespmem:s0+$0xFFFFFFD0]  }
0x1ed: {  	s1 =	simm.s32 $0xC980;
	v17 =	vld [tilespmem:s0+$0x40]  }
0x1ee: {  	v18 =	vld [tilespmem:s1+$0xFFFFFF90];
	[tilespmem:s0+$0xFFFFFF80] =	vst v9  }
0x1ef: {  	v9 =	vshll.u32 v13, $0x7;
	v11 =	vld.idx.msk [tilespmem:v11+s19+$0x0], $0xffff;
	[tilespmem:s0+$0x10] =	vst v8  }
0x1f0: {  	v9 =	vor.u32 v2, v9;
	v12 =	vshll.u32 v12, $0x7;
	v10 =	vld.idx.msk [tilespmem:v10+s19+$0x0], $0xffff  }
0x1f1: {  	v19 =	vld [tilespmem:s0+$0x50];
	v12 =	vor.u32 v3, v12  }
0x1f2: {  	v20 =	vld [tilespmem:s1+$0xFFFFFFA0]  }
0x1f3: {  	v21 =	vld [tilespmem:s1+$0xFFFFFFB0]  }
0x1f4: {  	[tilespmem:s0+$0xFFFFFF90] =	vst v11;
	v11 =	vld [tilespmem:s1+$0x0]  }
0x1f5: {  	v9 =	vld.idx.msk [tilespmem:v9+s19+$0x0], $0xffff;
	[tilespmem:s0+$0x20] =	vst v10  }
0x1f6: {  	v10 =	vld.idx.msk [tilespmem:v12+s19+$0x0], $0xffff  }
0x1f7: {  	v12 =	vld [tilespmem:s1+$0xFFFFFF80]  }
0x1f8: {  	v22 =	vld [tilespmem:s1+$0x10];
	v14 =	vshll.u32 v14, $0x7  }
0x1f9: {  	s20 =	simm.s32 $0xCA80;
	v23 =	vld [tilespmem:s1+$0x20];
	v17 =	vshll.u32 v17, $0x7;
	v14 =	vor.u32 v3, v14  }
0x1fa: {  	v24 =	vld [tilespmem:s20+$0xFFFFFFB0];
	v17 =	vor.u32 v4, v17;
	v11 =	vshll.u32 v11, $0x7  }
0x1fb: {  	v25 =	vld [tilespmem:s20+$0x10];
	v11 =	vor.u32 v0, v11  }
0x1fc: {  	v63 =	vld [tilespmem:s20+$0x30];
	[tilespmem:s0+$0xFFFFFFA0] =	vst v9;
	v12 =	vshll.u32 v12, $0x7  }
0x1fd: {  	v13 =	vld [tilespmem:s0+$0xFFFFFFE0];
	[tilespmem:s0+$0x30] =	vst v10;
	v10 =	vor.u32 v0, v12  }
0x1fe: {  	v14 =	vld.idx.msk [tilespmem:v14+s19+$0x0], $0xffff  }
0x1ff: {  	v15 =	vshll.u32 v15, $0x7;
	v12 =	vld.idx.msk [tilespmem:v17+s19+$0x0], $0xffff  }
0x200: {  	v15 =	vor.u32 v4, v15;
	v11 =	vld.idx.msk [tilespmem:v11+s19+$0x0], $0xffff;
	v17 =	vshll.u32 v19, $0x7  }
0x201: {  	v22 =	vshll.u32 v22, $0x7;
	v19 =	vld [tilespmem:s0+$0x60];
	v17 =	vor.u32 v5, v17  }
0x202: {  	v22 =	vor.u32 v1, v22;
	v10 =	vld.idx.msk [tilespmem:v10+s19+$0x0], $0xffff  }
0x203: {  	v18 =	vshll.u32 v18, $0x7;
	v8 =	vld [tilespmem:s0+$0xFFFFFFF0];
	[tilespmem:s0+$0xFFFFFFB0] =	vst v14  }
0x204: {  	v9 =	vld [tilespmem:s1+$0xFFFFFFC0];
	[tilespmem:s0+$0x40] =	vst v12;
	v12 =	vor.u32 v1, v18  }
0x205: {  	v15 =	vld.idx.msk [tilespmem:v15+s19+$0x0], $0xffff  }
0x206: {  	[tilespmem:s1+$0x0] =	vst v11;
	v17 =	vld.idx.msk [tilespmem:v17+s19+$0x0], $0xffff  }
0x207: {  	v14 =	vshll.u32 v19, $0x7;
	[tilespmem:s1+$0xFFFFFF80] =	vst v10;
	v10 =	vld.idx.msk [tilespmem:v22+s19+$0x0], $0xffff  }
0x208: {  	v19 =	vshll.u32 v23, $0x7;
	v14 =	vor.u32 v6, v14;
	v22 =	vld [tilespmem:s1+$0x30]  }
0x209: {  	v16 =	vshll.u32 v16, $0x7;
	v19 =	vor.u32 v2, v19;
	v12 =	vld.idx.msk [tilespmem:v12+s19+$0x0], $0xffff  }
0x20a: {  	v16 =	vor.u32 v5, v16;
	v11 =	vld [tilespmem:s0+$0x70]  }
0x20b: {  	v18 =	vld [tilespmem:s1+$0xFFFFFFD0];
	[tilespmem:s0+$0xFFFFFFC0] =	vst v15  }
0x20c: {  	v20 =	vshll.u32 v20, $0x7;
	v23 =	vld [tilespmem:s20+$0xFFFFFFA0];
	[tilespmem:s0+$0x50] =	vst v17  }
0x20d: {  	v17 =	vor.u32 v2, v20;
	v14 =	vld.idx.msk [tilespmem:v14+s19+$0x0], $0xffff;
	[tilespmem:s1+$0x10] =	vst v10  }
0x20e: {  	[tilespmem:s1+$0xFFFFFF90] =	vst v12;
	v10 =	vld.idx.msk [tilespmem:v19+s19+$0x0], $0xffff;
	v12 =	vshll.u32 v22, $0x7  }
0x20f: {  	v15 =	vld.idx.msk [tilespmem:v16+s19+$0x0], $0xffff;
	v12 =	vor.u32 v3, v12  }
0x210: {  	v16 =	vld [tilespmem:s1+$0xFFFFFFF0]  }
0x211: {  	v13 =	vshll.u32 v13, $0x7;
	v19 =	vld [tilespmem:s1+$0x40]  }
0x212: {  	v13 =	vor.u32 v6, v13;
	v17 =	vld.idx.msk [tilespmem:v17+s19+$0x0], $0xffff;
	[tilespmem:s0+$0x60] =	vst v14  }
0x213: {  	v11 =	vshll.u32 v11, $0x7;
	v14 =	vld [tilespmem:s20+$0x0];
	[tilespmem:s1+$0x20] =	vst v10  }
0x214: {  	v11 =	vor.u32 v7, v11;
	v10 =	vld.idx.msk [tilespmem:v12+s19+$0x0], $0xffff  }
0x215: {  	v21 =	vshll.u32 v21, $0x7;
	v12 =	vld [tilespmem:s20+$0xFFFFFF80]  }
0x216: {  	v21 =	vor.u32 v3, v21;
	v20 =	vld [tilespmem:s1+$0xFFFFFFE0];
	[tilespmem:s0+$0xFFFFFFD0] =	vst v15;
	v15 =	vshll.u32 v19, $0x7  }
0x217: {  	v13 =	vld.idx.msk [tilespmem:v13+s19+$0x0], $0xffff;
	v15 =	vor.u32 v4, v15  }
0x218: {  	v22 =	vld [tilespmem:s1+$0x50]  }
0x219: {  	v11 =	vld.idx.msk [tilespmem:v11+s19+$0x0], $0xffff;
	v14 =	vshll.u32 v14, $0x7  }
0x21a: {  	v19 =	vld [tilespmem:s20+$0xFFFFFF90];
	[tilespmem:s1+$0xFFFFFFA0] =	vst v17;
	v14 =	vor.u32 v0, v14;
	v12 =	vshll.u32 v12, $0x7  }
0x21b: {  	v21 =	vld.idx.msk [tilespmem:v21+s19+$0x0], $0xffff;
	[tilespmem:s1+$0x30] =	vst v10;
	v10 =	vor.u32 v0, v12  }
0x21c: {  	v9 =	vshll.u32 v9, $0x7;
	v12 =	vld.idx.msk [tilespmem:v15+s19+$0x0], $0xffff  }
0x21d: {  	v9 =	vor.u32 v4, v9;
	v17 =	vshll.u32 v22, $0x7;
	v22 =	vld [tilespmem:s1+$0x60]  }
0x21e: {  	v15 =	vld [tilespmem:s20+$0xFFFFFFC0]  }
0x21f: {  	v17 =	vor.u32 v5, v17;
	v14 =	vld.idx.msk [tilespmem:v14+s19+$0x0], $0xffff  }
0x220: {  	v25 =	vshll.u32 v25, $0x7;
	[tilespmem:s1+$0xFFFFFFB0] =	vst v21;
	v10 =	vld.idx.msk [tilespmem:v10+s19+$0x0], $0xffff  }
0x221: {  	v25 =	vor.u32 v1, v25;
	[tilespmem:s1+$0x40] =	vst v12;
	v12 =	vld [tilespmem:s20+$0x20]  }
0x222: {  	v19 =	vshll.u32 v19, $0x7;
	v9 =	vld.idx.msk [tilespmem:v9+s19+$0x0], $0xffff  }
0x223: {  	v19 =	vor.u32 v1, v19;
	v21 =	vld [tilespmem:s20+$0xFFFFFFD0]  }
0x224: {  	v22 =	vshll.u32 v22, $0x7;
	v17 =	vld.idx.msk [tilespmem:v17+s19+$0x0], $0xffff  }
0x225: {  	v18 =	vshll.u32 v18, $0x7;
	v22 =	vor.u32 v6, v22;
	[tilespmem:s20+$0x0] =	vst v14;
	v14 =	vld [tilespmem:s1+$0x70]  }
0x226: {  	[tilespmem:s20+$0xFFFFFF80] =	vst v10;
	v10 =	vor.u32 v5, v18;
	v18 =	vld.idx.msk [tilespmem:v25+s19+$0x0], $0xffff;
	v12 =	vshll.u32 v12, $0x7  }
0x227: {  	[tilespmem:s1+$0xFFFFFFC0] =	vst v9;
	v9 =	vld [tilespmem:s20+$0xFFFFFFE0];
	v12 =	vor.u32 v2, v12  }
0x228: {  	v8 =	vshll.u32 v8, $0x7;
	v23 =	vshll.u32 v23, $0x7;
	v19 =	vld.idx.msk [tilespmem:v19+s19+$0x0], $0xffff  }
0x229: {  	[tilespmem:s1+$0x50] =	vst v17;
	v17 =	vor.u32 v2, v23;
	v23 =	vor.u32 v7, v8;
	v8 =	vshll.u32 v20, $0x7;
	v20 =	vld [tilespmem:s20+$0xFFFFFFF0]  }
0x22a: {  	[tilespmem:s0+$0x70] =	vst v11;
	v14 =	vshll.u32 v14, $0x7;
	v22 =	vld.idx.msk [tilespmem:v22+s19+$0x0], $0xffff  }
0x22b: {  	v14 =	vor.u32 v7, v14;
	v11 =	vld.idx.msk [tilespmem:v10+s19+$0x0], $0xffff;
	[tilespmem:s20+$0x10] =	vst v18  }
0x22c: {  	v26 =	vor.u32 v6, v8;
	v8 =	vshll.u32 v16, $0x7;
	v18 =	vld.idx.msk [tilespmem:v12+s19+$0x0], $0xffff  }
0x22d: {  	v16 =	vshll.u32 v63, $0x7;
	v10 =	vshll.u32 v24, $0x7;
	[tilespmem:s20+$0xFFFFFF90] =	vst v19;
	v12 =	vshll.u32 v15, $0x7;
	v19 =	vld [tilespmem:s20+$0x40]  }
0x22e: {  	[tilespmem:s0+$0xFFFFFFE0] =	vst v13;
	v15 =	vshll.u32 v21, $0x7;
	v21 =	vshll.u32 v20, $0x7;
	v20 =	vor.u32 v3, v16;
	v17 =	vld.idx.msk [tilespmem:v17+s19+$0x0], $0xffff  }
0x22f: {  	v13 =	vor.u32 v3, v10;
	[tilespmem:s1+$0x60] =	vst v22;
	v10 =	vor.u32 v5, v15;
	v15 =	vld.idx.msk [tilespmem:v23+s19+$0x0], $0xffff  }
0x230: {  	v9 =	vshll.u32 v9, $0x7;
	v8 =	vor.u32 v7, v8;
	v14 =	vld.idx.msk [tilespmem:v14+s19+$0x0], $0xffff;
	[tilespmem:s1+$0xFFFFFFD0] =	vst v11  }
0x231: {  	s3 =	simm.s32 $0xCB80;
	s23 =	simm.s32 $0x4;
	v12 =	vor.u32 v4, v12;
	v11 =	vor.u32 v6, v9;
	v9 =	vor.u32 v7, v21;
	v16 =	vld.idx.msk [tilespmem:v26+s19+$0x0], $0xffff  }
.LBB2_8:
0x232: {  	v21 =	vld [tilespmem:s3+$0x0];
	[tilespmem:s20+$0x20] =	vst v18  }
0x233: {  	s23 =	sadd.s32 $0x2, s23;
	[tilespmem:s20+$0xFFFFFFA0] =	vst v17;
	v17 =	vld.idx.msk [tilespmem:v20+s19+$0x0], $0xffff  }
0x234: {  	p0 =	slt.u32 s23, $0xC6;
	v19 =	vshll.u32 v19, $0x7;
	v18 =	vld [tilespmem:s3+$0xFFFFFF80]  }
0x235: {  	v19 =	vor.u32 v4, v19;
	v20 =	vld [tilespmem:s3+$0xFFFFFF90];
	[tilespmem:s1+$0x70] =	vst v14  }
0x236: {  	v14 =	vld [tilespmem:s20+$0x50];
	[tilespmem:s0+$0xFFFFFFF0] =	vst v15;
	s0 =	smov.u32 s1;
	s1 =	smov.u32 s20;
	s20 =	smov.u32 s3  }
0x237: {  	v15 =	vld [tilespmem:s3+$0xFFFFFFA0];
	[tilespmem:s0+$0xFFFFFFE0] =	vst v16  }
0x238: {  	v21 =	vshll.u32 v21, $0x7;
	v16 =	vld [tilespmem:s3+$0xFFFFFFB0]  }
0x239: {  	v21 =	vor.u32 v0, v21;
	v18 =	vshll.u32 v18, $0x7;
	v22 =	vld [tilespmem:s3+$0x10];
	[tilespmem:s1+$0x30] =	vst v17  }
0x23a: {  	v17 =	vor.u32 v0, v18;
	v18 =	vshll.u32 v20, $0x7;
	v19 =	vld.idx.msk [tilespmem:v19+s19+$0x0], $0xffff  }
0x23b: {  	v18 =	vor.u32 v1, v18;
	v20 =	vld [tilespmem:s3+$0xFFFFFFC0];
	v14 =	vshll.u32 v14, $0x7  }
0x23c: {  	v15 =	vshll.u32 v15, $0x7;
	v23 =	vld.idx.msk [tilespmem:v13+s19+$0x0], $0xffff;
	v14 =	vor.u32 v5, v14  }
0x23d: {  	v15 =	vor.u32 v2, v15;
	v13 =	vshll.u32 v16, $0x7;
	v16 =	vld [tilespmem:s1+$0x60]  }
0x23e: {  	v13 =	vor.u32 v3, v13;
	v21 =	vld.idx.msk [tilespmem:v21+s19+$0x0], $0xffff  }
0x23f: {  	v22 =	vshll.u32 v22, $0x7;
	v17 =	vld.idx.msk [tilespmem:v17+s19+$0x0], $0xffff  }
0x240: {  	v22 =	vor.u32 v1, v22;
	v20 =	vshll.u32 v20, $0x7;
	v24 =	vld [tilespmem:s3+$0x20];
	[tilespmem:s1+$0x40] =	vst v19  }
0x241: {  	v19 =	vor.u32 v4, v20;
	v14 =	vld.idx.msk [tilespmem:v14+s19+$0x0], $0xffff  }
0x242: {  	v20 =	vld [tilespmem:s3+$0xFFFFFFD0];
	[tilespmem:s1+$0xFFFFFFB0] =	vst v23;
	v16 =	vshll.u32 v16, $0x7  }
0x243: {  	v23 =	vld.idx.msk [tilespmem:v12+s19+$0x0], $0xffff;
	v16 =	vor.u32 v6, v16;
	v12 =	vmov v19  }
0x244: {  	[tilespmem:s3+$0x0] =	vst v21;
	v19 =	vld [tilespmem:s1+$0x70]  }
0x245: {  	[tilespmem:s3+$0xFFFFFF80] =	vst v17;
	v17 =	vld.idx.msk [tilespmem:v22+s19+$0x0], $0xffff  }
0x246: {  	v21 =	vshll.u32 v24, $0x7;
	v18 =	vld.idx.msk [tilespmem:v18+s19+$0x0], $0xffff  }
0x247: {  	v21 =	vor.u32 v2, v21;
	v20 =	vshll.u32 v20, $0x7;
	v22 =	vld [tilespmem:s3+$0x30];
	[tilespmem:s1+$0x50] =	vst v14  }
0x248: {  	v14 =	vor.u32 v5, v20;
	v16 =	vld.idx.msk [tilespmem:v16+s19+$0x0], $0xffff  }
0x249: {  	v20 =	vld [tilespmem:s3+$0xFFFFFFE0];
	[tilespmem:s1+$0xFFFFFFC0] =	vst v23;
	v19 =	vshll.u32 v19, $0x7  }
0x24a: {  	v23 =	vld.idx.msk [tilespmem:v10+s19+$0x0], $0xffff;
	v24 =	vor.u32 v7, v19;
	v10 =	vmov v14  }
0x24b: {  	v25 =	vld [tilespmem:s3+$0xFFFFFFF0];
	[tilespmem:s3+$0x10] =	vst v17  }
0x24c: {  	[tilespmem:s3+$0xFFFFFF90] =	vst v18;
	v18 =	vld.idx.msk [tilespmem:v21+s19+$0x0], $0xffff  }
.Ltmp3:
0x24d: {  	v14 =	vshll.u32 v22, $0x7;
	v17 =	vld.idx.msk [tilespmem:v15+s19+$0x0], $0xffff;
	(pc) =	sbr.rel @p0 .LBB2_8-.Ltmp3, $4  }
0x24e: {  	v15 =	vshll.u32 v20, $0x7;
	v20 =	vor.u32 v3, v14;
	v19 =	vld [tilespmem:s3+$0x40];
	[tilespmem:s1+$0x60] =	vst v16  }
0x24f: {  	v21 =	vor.u32 v6, v15;
	v14 =	vld.idx.msk [tilespmem:v24+s19+$0x0], $0xffff  }
0x250: {  	v16 =	vshll.u32 v25, $0x7;
	[tilespmem:s1+$0xFFFFFFD0] =	vst v23;
	v15 =	vld.idx.msk [tilespmem:v8+s19+$0x0], $0xffff;
	v8 =	vmov v9  }
0x251: {  	s3 =	sadd.s32 $0x100, s3;
	v9 =	vor.u32 v7, v16;
	v16 =	vld.idx.msk [tilespmem:v11+s19+$0x0], $0xffff;
	v11 =	vmov v21  }
0x252: {  	_ =	sdelay $0x2  }
0x253: {  	[tilespmem:s20+$0x20] =	vst v18;
	v55 =	vld [tilespmem:s20+$0x50]  }
0x254: {  	[tilespmem:s20+$0xFFFFFFA0] =	vst v17;
	v18 =	vld.idx.msk [tilespmem:v20+s19+$0x0], $0xffff;
	v19 =	vshll.u32 v19, $0x7  }
0x255: {  	v13 =	vld.idx.msk [tilespmem:v13+s19+$0x0], $0xffff;
	v54 =	vor.u32 v4, v19;
	_ =	sdelay $0x3  }
0x256: {  	v57 =	vld [tilespmem:s20+$0x60];
	[tilespmem:s20+$0x30] =	vst v18  }
0x257: {  	v56 =	vshll.u32 v55, $0x7;
	[tilespmem:s20+$0xFFFFFFB0] =	vst v13;
	v17 =	vld.idx.msk [tilespmem:v54+s19+$0x0], $0xffff  }
0x258: {  	v18 =	vor.u32 v5, v56;
	v12 =	vld.idx.msk [tilespmem:v12+s19+$0x0], $0xffff;
	_ =	sdelay $0x3  }
0x259: {  	v60 =	vld [tilespmem:s20+$0x70];
	[tilespmem:s20+$0x40] =	vst v17  }
0x25a: {  	v59 =	vshll.u32 v57, $0x7;
	[tilespmem:s20+$0xFFFFFFC0] =	vst v12;
	v58 =	vld.idx.msk [tilespmem:v18+s19+$0x0], $0xffff  }
0x25b: {  	v17 =	vor.u32 v6, v59;
	v10 =	vld.idx.msk [tilespmem:v10+s19+$0x0], $0xffff;
	_ =	sdelay $0x3  }
0x25c: {  	[tilespmem:s20+$0x50] =	vst v58  }
0x25d: {  	v62 =	vshll.u32 v60, $0x7;
	[tilespmem:s20+$0xFFFFFFD0] =	vst v10;
	v61 =	vld.idx.msk [tilespmem:v17+s19+$0x0], $0xffff  }
0x25e: {  	v13 =	vor.u32 v7, v62;
	v10 =	vld.idx.msk [tilespmem:v11+s19+$0x0], $0xffff;
	_ =	sdelay $0x2  }
0x25f: {  	[tilespmem:s1+$0xFFFFFFE0] =	vst v16  }
0x260: {  	v8 =	vld.idx.msk [tilespmem:v8+s19+$0x0], $0xffff;
	[tilespmem:s20+$0x60] =	vst v61  }
0x261: {  	[tilespmem:s20+$0xFFFFFFE0] =	vst v10;
	v63 =	vld.idx.msk [tilespmem:v13+s19+$0x0], $0xffff  }
0x262: {  	v9 =	vld.idx.msk [tilespmem:v9+s19+$0x0], $0xffff  }
0x263: {  	[tilespmem:s1+$0x70] =	vst v14  }
0x264: {  	[tilespmem:s0+$0xFFFFFFF0] =	vst v15  }
0x265: {  	[tilespmem:s1+$0xFFFFFFF0] =	vst v8  }
0x266: {  	[tilespmem:s20+$0x70] =	vst v63  }
0x267: {  	[tilespmem:s20+$0xFFFFFFF0] =	vst v9  }
0x268: {  	[hbm4b:s14+s16] =	stream.strided.scatter [tilespmem:s18], [sflag:$0x6], $0x6400, s17, s16, $0x38;
	[tilespmem:$0x1F400] =	vst v63  }
0x269: {  	_ =	swait.ge [sflag:s29], $0x6400  }
0x26a: {  	[sflag:s29] =	ssyncset.done $0x0  }
0x26b: {  	s31 =	sadd.s32 $0x1, s31;
	[sflag:s29] =	ssyncadd.s32 $0xFFFF9C00  }
0x26c: {  	p0 =	sne.s32 s31, s15;
	_ =	swait.ge [sflag:s30], $0x6400  }
.Ltmp4:
0x26d: {  	[sflag:s30] =	ssyncset.done $0x0;
	(pc) =	sbr.rel @p0 .LBB2_1-.Ltmp4, $4  }
0x26e: {  	[sflag:s30] =	ssyncadd.s32 $0xFFFF9C00  }
0x26f: {  	_ =	swait.ge [sflag:s26], $0x6400  }
0x270: {  	[sflag:s26] =	ssyncset.done $0x0  }
0x271: {  	[sflag:s26] =	ssyncadd.s32 $0xFFFF9C00  }
0x272: {  	_ =	sfence.sel $0x180000  }
0x273: {  	[bflag:$0x0] =	sbarrier.arrive $0xFFFF  }
0x274: {  	_ =	strace $0x90000047  }
0x275: {  	s0 =	stileid.u32;
	[bflag:$0x2] =	sbarrier.arrive $0xFFFF  }
0x276: {  	p0 =	sne.s32 s0, $0x0;
	s0 =	rddreg [dreg:$0x3]  }
0x277: {  	s0 =	sadd.s32 @!p0 $0x100000, s0  }
0x278: {  	[sflag:s0] =	ssyncadd.tile.s32 @!p0 $0x1;
	_ =	shalt  }
.Lfunc_end2:
_tile_overlayer_lowered:
.L_overlay_start_2:
0x279: {  	(tag) =	ssettag $0x2  }
0x27a: {  	s0 =	rddreg [dreg:$0x0];
	s2 =	stileid.u32  }
0x27b: {  	s1 =	rddreg [dreg:$0x1];
	p0 =	sne.s32 s2, $0x0  }
0x27c: {  	s3 =	rddreg [dreg:$0x2];
	[bflag:$0x3] =	sbarrier.arrive $0xFFFF;
	s2 =	simm.s32 @!p0 $0x1C09  }
0x27d: {  	[timem:s3], [sflag:s2] =	dma.local @!p0 [hbm:s0], s1  }
0x27e: {  	s0 =	simm.s32 @!p0 $0x9  }
0x27f: {  	_ =	swait.ge @!p0 [sflag:s0], s1  }
0x280: {  	s1 =	ssub.s32 @!p0 $0x0, s1;
	[sflag:s0] =	ssyncset.done @!p0 $0x0  }
0x281: {  	[sflag:s0] =	ssyncadd.s32 @!p0 s1  }
0x282: {  	[bflag:$0x3] =	sbarrier.arrive $0xFFFF  }
0x283: {  	_ =	shalt  }

</sc_bundles>
